<compile_context>
chip_gen: v7x
topology: tpu7x:2x2x1
jax: 0.10.2.dev20260603
libtpu: 0.0.44.dev20260713+nightly
codegen_flags: <defaults>
</compile_context>

<pallas_src>
import functools

import jax
import jax.numpy as jnp
from jax import lax
from jax.experimental import pallas as pl
from jax.experimental.pallas import tpu as pltpu
from jax.experimental.pallas import tpu_sc as plsc

N = 10000
NP = 10240
E = 320000
NC = 2
NS = 16
K = 80
RPS = NP // NS

_mesh = plsc.VectorSubcoreMesh(
    core_axis_name="c", subcore_axis_name="s", num_cores=NC, num_subcores=NS)


def _make_sc_segsum(width, split_features):
    if split_features:
        eps = E // NS
    else:
        eps = E // (NC * NS)
    nblk = eps // K

    @functools.partial(
        pl.kernel,
        out_type=jax.ShapeDtypeStruct((2 * NP, width), jnp.float32),
        mesh=_mesh,
        scratch_types=[
            pltpu.VMEM((K,), jnp.int32),
            pltpu.VMEM((K,), jnp.int32),
            pltpu.VMEM((K, width), jnp.float32),
            pltpu.VMEM_SHARED((NP, width), jnp.float32),
            pltpu.SemaphoreType.DMA,
        ],
        compiler_params=pltpu.CompilerParams(use_tc_tiling_on_sc=False),
    )
    def k(table_h, src_h, dst_h, z_h, out_h, src_v, dst_v, rows_v, acc, sem):
        cid = lax.axis_index("c")
        sid = lax.axis_index("s")
        rs = sid * RPS

        pltpu.sync_copy(z_h.at[pl.ds(rs, RPS)], acc.at[pl.ds(rs, RPS)])
        plsc.subcore_barrier()

        if split_features:
            base = sid * eps
            idx_off = cid * N
        else:
            base = (cid * NS + sid) * eps
            idx_off = 0

        def body(i, carry):
            off = pl.multiple_of(base + i * K, 8)
            pltpu.sync_copy(src_h.at[pl.ds(off, K)], src_v)
            pltpu.sync_copy(dst_h.at[pl.ds(off, K)], dst_v)
            if split_features:
                for j in range(K // 16):
                    sl = pl.ds(j * 16, 16)
                    src_v[sl] = src_v[sl] + idx_off
            pltpu.async_copy(table_h.at[src_v], rows_v, sem).wait()
            pltpu.sync_copy(rows_v, acc.at[dst_v], add=True)
            return carry

        lax.fori_loop(0, nblk, body, 0, unroll=False)
        plsc.subcore_barrier()

        out_row = cid * NP + rs
        pltpu.sync_copy(acc.at[pl.ds(rs, RPS)], out_h.at[pl.ds(out_row, RPS)])

    return k


_sc_segsum_80 = _make_sc_segsum(80, split_features=True)
_sc_segsum_128 = _make_sc_segsum(128, split_features=True)
_sc_segsum_16 = _make_sc_segsum(16, split_features=False)


def _tc_layer1(s1sum, x, wl, b, wr, g, bt):
    def body(s_ref, x_ref, wl_ref, b_ref, wr_ref, g_ref, bt_ref,
             h1a_ref, h1b_ref, dinv_ref):
        deg = jnp.maximum(s_ref[0:N, 64:65], 1.0)
        dinv = 1.0 / deg
        agg = jnp.concatenate(
            [s_ref[0:N, 0:64], s_ref[NP:NP + N, 0:64]], axis=1) * dinv
        h = (lax.dot_general(agg, wl_ref[...], (((1,), (1,)), ((), ())),
                             preferred_element_type=jnp.float32)
             + b_ref[...]
             + lax.dot_general(x_ref[...], wr_ref[...], (((1,), (1,)), ((), ())),
                               preferred_element_type=jnp.float32))
        mu = jnp.mean(h, axis=0, keepdims=True)
        hc = h - mu
        var = jnp.mean(hc * hc, axis=0, keepdims=True)
        hn = jnp.maximum(g_ref[...] * hc * lax.rsqrt(var + 1e-5) + bt_ref[...], 0.0)
        h1a_ref[...] = hn[:, :128]
        h1b_ref[...] = hn[:, 128:]
        dinv_ref[...] = dinv

    return pl.pallas_call(
        body,
        out_shape=(jax.ShapeDtypeStruct((N, 128), jnp.float32),
                   jax.ShapeDtypeStruct((N, 128), jnp.float32),
                   jax.ShapeDtypeStruct((N, 1), jnp.float32)),
    )(s1sum, x, wl, b, wr, g, bt)


def _tc_layer2(h1a, h1b, s2sum, dinv, wl, b, wr, g, bt, wl3, wr3):
    def body(h1a_ref, h1b_ref, s_ref, dinv_ref, wl_ref, b_ref,
             wr_ref, g_ref, bt_ref, wl3_ref, wr3_ref, y16_ref, root_ref):
        dinv = dinv_ref[...]
        agg = jnp.concatenate(
            [s_ref[0:N, :], s_ref[NP:NP + N, :]], axis=1) * dinv
        h1 = jnp.concatenate([h1a_ref[...], h1b_ref[...]], axis=1)
        h = (lax.dot_general(agg, wl_ref[...], (((1,), (1,)), ((), ())),
                             preferred_element_type=jnp.float32)
             + b_ref[...]
             + lax.dot_general(h1, wr_ref[...], (((1,), (1,)), ((), ())),
                               preferred_element_type=jnp.float32))
        mu = jnp.mean(h, axis=0, keepdims=True)
        hc = h - mu
        var = jnp.mean(hc * hc, axis=0, keepdims=True)
        h2 = jnp.maximum(g_ref[...] * hc * lax.rsqrt(var + 1e-5) + bt_ref[...], 0.0)
        y = lax.dot_general(h2, wl3_ref[...], (((1,), (1,)), ((), ())),
                            preferred_element_type=jnp.float32)
        y16_ref[...] = jnp.broadcast_to(y, (N, 16))
        root_ref[...] = lax.dot_general(h2, wr3_ref[...], (((1,), (1,)), ((), ())),
                                        preferred_element_type=jnp.float32)

    return pl.pallas_call(
        body,
        out_shape=(jax.ShapeDtypeStruct((N, 16), jnp.float32),
                   jax.ShapeDtypeStruct((N, 1), jnp.float32)),
    )(h1a, h1b, s2sum, dinv, wl, b, wr, g, bt, wl3, wr3)


def _tc_final(s3sum, dinv, root, b3):
    def body(s_ref, dinv_ref, root_ref, b3_ref, out_ref):
        s = s_ref[0:N, 0:1] + s_ref[NP:NP + N, 0:1]
        out_ref[...] = s * dinv_ref[...] + b3_ref[...] + root_ref[...]

    return pl.pallas_call(
        body,
        out_shape=jax.ShapeDtypeStruct((N, 1), jnp.float32),
    )(s3sum, dinv, root, b3)


def kernel(x, edge_index, W_l1, b1, W_r1, g1, bt1,
           W_l2, b2, W_r2, g2, bt2, W_l3, b3, W_r3):
    src = edge_index[0]
    dst = edge_index[1]

    ones16 = jnp.ones((N, 16), jnp.float32)
    x01 = jnp.concatenate(
        [jnp.concatenate([x[:, :64], ones16], axis=1),
         jnp.concatenate([x[:, 64:], ones16], axis=1)], axis=0)

    z80 = jnp.zeros((NP, 80), jnp.float32)
    s1sum = _sc_segsum_80(x01, src, dst, z80)

    h1a, h1b, dinv = _tc_layer1(
        s1sum, x, W_l1, b1.reshape(1, -1), W_r1,
        g1.reshape(1, -1), bt1.reshape(1, -1))

    h1s = jnp.concatenate([h1a, h1b], axis=0)
    z128 = jnp.zeros((NP, 128), jnp.float32)
    s2sum = _sc_segsum_128(h1s, src, dst, z128)

    y16, root = _tc_layer2(
        h1a, h1b, s2sum, dinv, W_l2, b2.reshape(1, -1), W_r2,
        g2.reshape(1, -1), bt2.reshape(1, -1), W_l3, W_r3)

    z16 = jnp.zeros((NP, 16), jnp.float32)
    s3sum = _sc_segsum_16(y16, src, dst, z16)

    return _tc_final(s3sum, dinv, root, b3.reshape(1, 1))

# --- scband reference (transcript-rebuilt; emitter-appended) ---
"""Pipeline reference for scband-gnn-scorer-62139586839086 (READ-ONLY COPY).

The authoritative reference and input builder live on the scoring server;
editing this copy changes nothing except your own understanding.
"""

import jax, jax.numpy as jnp
import numpy as np

N = 10000
E = 320000
IN_CH = 128
HID = 256

def setup_inputs(seed: int = 0):
    key = jax.random.key(seed)
    ks = jax.random.split(key, 10)
    x = jax.random.normal(ks[0], (N, IN_CH), dtype=jnp.float32)
    edge_index = jax.random.randint(ks[1], (2, E), 0, N, dtype=jnp.int32)
    def lin(k, o, i):
        return jax.random.normal(k, (o, i), dtype=jnp.float32) / np.sqrt(i)
    W_l1 = lin(ks[2], HID, IN_CH); b1 = jnp.zeros((HID,), jnp.float32); W_r1 = lin(ks[3], HID, IN_CH)
    g1 = jnp.ones((HID,), jnp.float32); bt1 = jnp.zeros((HID,), jnp.float32)
    W_l2 = lin(ks[4], HID, HID); b2 = jnp.zeros((HID,), jnp.float32); W_r2 = lin(ks[5], HID, HID)
    g2 = jnp.ones((HID,), jnp.float32); bt2 = jnp.zeros((HID,), jnp.float32)
    W_l3 = lin(ks[6], 1, HID); b3 = jnp.zeros((1,), jnp.float32); W_r3 = lin(ks[7], 1, HID)
    return {"x": x, "edge_index": edge_index,
            "W_l1": W_l1, "b1": b1, "W_r1": W_r1, "g1": g1, "bt1": bt1,
            "W_l2": W_l2, "b2": b2, "W_r2": W_r2, "g2": g2, "bt2": bt2,
            "W_l3": W_l3, "b3": b3, "W_r3": W_r3}

def _sage(x, src, dst, W_l, b_l, W_r):
    # PyG SAGEConv(aggr='mean'): lin_l(mean_{j in N(i)} x_j) + lin_r(x_i)
    ones = jnp.ones((src.shape[0],), jnp.float32)
    deg = jax.ops.segment_sum(ones, dst, num_segments=N)
    deg = jnp.maximum(deg, 1.0)
    agg = jax.ops.segment_sum(x[src], dst, num_segments=N) / deg[:, None]
    return agg @ W_l.T + b_l + x @ W_r.T

def _bn(h, gamma, beta):
    mu = jnp.mean(h, axis=0)
    var = jnp.var(h, axis=0)
    return gamma * (h - mu) * jax.lax.rsqrt(var + 1e-5) + beta

def reference(x, edge_index, W_l1, b1, W_r1, g1, bt1, W_l2, b2, W_r2, g2, bt2, W_l3, b3, W_r3):
    src, dst = edge_index[0], edge_index[1]
    h = _sage(x, src, dst, W_l1, b1, W_r1)
    h = jax.nn.relu(_bn(h, g1, bt1))
    h = _sage(h, src, dst, W_l2, b2, W_r2)
    h = jax.nn.relu(_bn(h, g2, bt2))
    out = _sage(h, src, dst, W_l3, b3, W_r3)
    return out

if __name__ == "__main__":
    import jax
    _d = setup_inputs()
    print(jax.jit(kernel)(*tuple(_d.values())))

</pallas_src>

<mosaic_0001>
#map = affine_map<(d0, d1) -> (0, 0)>
#map1 = affine_map<(d0, d1) -> (0)>
module attributes {stable_mosaic.version = 14 : i64} {
  func.func @k(%arg0: i32, %arg1: i32, %arg2: memref<10000x16xf32, #tpu.memory_space<hbm>>, %arg3: memref<320000xi32, #tpu.memory_space<hbm>>, %arg4: memref<320000xi32, #tpu.memory_space<hbm>>, %arg5: memref<10240x16xf32, #tpu.memory_space<hbm>>, %arg6: memref<20480x16xf32, #tpu.memory_space<hbm>>, %arg7: memref<80xi32, #tpu.memory_space<vmem>>, %arg8: memref<80xi32, #tpu.memory_space<vmem>>, %arg9: memref<80x16xf32, #tpu.memory_space<vmem>>, %arg10: memref<10240x16xf32, #tpu.memory_space<vmem_shared>>, %arg11: memref<!tpu.dma_semaphore, #tpu.memory_space<semaphore_mem>>) attributes {dimension_semantics = [#tpu.dimension_semantics<core_parallel>, #tpu.dimension_semantics<subcore_parallel>], iteration_bounds = array<i64: 2, 16>, scalar_prefetch = 0 : i64, scratch_operands = 5 : i64, tpu.core_type = #tpu.core_type<sc_vector_subcore>, window_params = [{transform_indices = #map}, {transform_indices = #map1}, {transform_indices = #map1}, {transform_indices = #map}, {transform_indices = #map}]} {
    %mul3A = arith.constant 640 : i32
    %mul3A_0 = arith.muli %arg1, %mul3A : i32
    "tpu.region"() ({
      %run_scoped3A = tpu.sem_alloc : memref<!tpu.dma_semaphore, #tpu.memory_space<semaphore_mem>>
      %dma_start3A = arith.constant 0 : i32
      %dma_start3A_14 = tpu.memref_slice %arg10[%mul3A_0, %dma_start3A] : memref<10240x16xf32, #tpu.memory_space<vmem_shared>> -> memref<640x16xf32, #tpu.memory_space<vmem_shared>>
      %dma_start3A_15 = arith.constant 0 : i32
      %dma_start3A_16 = tpu.memref_slice %arg5[%mul3A_0, %dma_start3A_15] : memref<10240x16xf32, #tpu.memory_space<hbm>> -> memref<640x16xf32, #tpu.memory_space<hbm>>
      tpu.enqueue_dma source(%dma_start3A_16 : memref<640x16xf32, #tpu.memory_space<hbm>>) target(%dma_start3A_14 : memref<640x16xf32, #tpu.memory_space<vmem_shared>>) target_semaphore(%run_scoped3A : memref<!tpu.dma_semaphore, #tpu.memory_space<semaphore_mem>>)
      %dma_wait3A = arith.constant 0 : i32
      %dma_wait3A_17 = tpu.memref_slice %arg10[%mul3A_0, %dma_wait3A] : memref<10240x16xf32, #tpu.memory_space<vmem_shared>> -> memref<640x16xf32, #tpu.memory_space<vmem_shared>>
      %dma_wait3A_18 = arith.constant 0 : i32
      %dma_wait3A_19 = tpu.memref_slice %arg5[%mul3A_0, %dma_wait3A_18] : memref<10240x16xf32, #tpu.memory_space<hbm>> -> memref<640x16xf32, #tpu.memory_space<hbm>>
      tpu.wait_dma2 semaphore(%run_scoped3A : memref<!tpu.dma_semaphore, #tpu.memory_space<semaphore_mem>>) src(%dma_wait3A_19 : memref<640x16xf32, #tpu.memory_space<hbm>>) dst(%dma_wait3A_17 : memref<640x16xf32, #tpu.memory_space<vmem_shared>>)
      tpu.yield
    }) : () -> ()
    %barrier3A = arith.constant 0 : index
    tpu.barrier barrier_id(%barrier3A)
    %mul3A_1 = arith.constant 16 : i32
    %mul3A_2 = arith.muli %arg0, %mul3A_1 : i32
    %add3A = arith.addi %mul3A_2, %arg1 : i32
    %mul3A_3 = arith.constant 10000 : i32
    %mul3A_4 = arith.muli %add3A, %mul3A_3 : i32
    %scan3A = arith.constant 0 : i32
    %scan3A_5 = arith.constant 0 : i32
    %scan3A_6 = arith.constant 125 : i32
    %scan3A_7 = arith.addi %scan3A_5, %scan3A_6 : i32
    %scan3A_8 = arith.constant 1 : i32
    scf.for %scan3A_14 = %scan3A_5 to %scan3A_7 step %scan3A_8  : i32 {
      %mul3A_15 = arith.constant 80 : i32
      %mul3A_16 = arith.muli %scan3A_14, %mul3A_15 : i32
      %add3A_17 = arith.addi %mul3A_4, %mul3A_16 : i32
      %multiple_of3A = tpu.assume_multiple %add3A_17, 8 : i32
      "tpu.region"() ({
        %run_scoped3A = tpu.sem_alloc : memref<!tpu.dma_semaphore, #tpu.memory_space<semaphore_mem>>
        %dma_start3A_22 = tpu.memref_slice %arg3[%multiple_of3A] : memref<320000xi32, #tpu.memory_space<hbm>> -> memref<80xi32, #tpu.memory_space<hbm>>
        %dma_start3A_23 = tpu.memref_slice %arg3[%multiple_of3A] : memref<320000xi32, #tpu.memory_space<hbm>> -> memref<80xi32, #tpu.memory_space<hbm>>
        tpu.enqueue_dma source(%dma_start3A_23 : memref<80xi32, #tpu.memory_space<hbm>>) target(%arg7 : memref<80xi32, #tpu.memory_space<vmem>>) target_semaphore(%run_scoped3A : memref<!tpu.dma_semaphore, #tpu.memory_space<semaphore_mem>>)
        %dma_wait3A_24 = tpu.memref_slice %arg3[%multiple_of3A] : memref<320000xi32, #tpu.memory_space<hbm>> -> memref<80xi32, #tpu.memory_space<hbm>>
        %dma_wait3A_25 = tpu.memref_slice %arg3[%multiple_of3A] : memref<320000xi32, #tpu.memory_space<hbm>> -> memref<80xi32, #tpu.memory_space<hbm>>
        tpu.wait_dma2 semaphore(%run_scoped3A : memref<!tpu.dma_semaphore, #tpu.memory_space<semaphore_mem>>) src(%dma_wait3A_25 : memref<80xi32, #tpu.memory_space<hbm>>) dst(%arg7 : memref<80xi32, #tpu.memory_space<vmem>>)
        tpu.yield
      }) : () -> ()
      "tpu.region"() ({
        %run_scoped3A = tpu.sem_alloc : memref<!tpu.dma_semaphore, #tpu.memory_space<semaphore_mem>>
        %dma_start3A_22 = tpu.memref_slice %arg4[%multiple_of3A] : memref<320000xi32, #tpu.memory_space<hbm>> -> memref<80xi32, #tpu.memory_space<hbm>>
        %dma_start3A_23 = tpu.memref_slice %arg4[%multiple_of3A] : memref<320000xi32, #tpu.memory_space<hbm>> -> memref<80xi32, #tpu.memory_space<hbm>>
        tpu.enqueue_dma source(%dma_start3A_23 : memref<80xi32, #tpu.memory_space<hbm>>) target(%arg8 : memref<80xi32, #tpu.memory_space<vmem>>) target_semaphore(%run_scoped3A : memref<!tpu.dma_semaphore, #tpu.memory_space<semaphore_mem>>)
        %dma_wait3A_24 = tpu.memref_slice %arg4[%multiple_of3A] : memref<320000xi32, #tpu.memory_space<hbm>> -> memref<80xi32, #tpu.memory_space<hbm>>
        %dma_wait3A_25 = tpu.memref_slice %arg4[%multiple_of3A] : memref<320000xi32, #tpu.memory_space<hbm>> -> memref<80xi32, #tpu.memory_space<hbm>>
        tpu.wait_dma2 semaphore(%run_scoped3A : memref<!tpu.dma_semaphore, #tpu.memory_space<semaphore_mem>>) src(%dma_wait3A_25 : memref<80xi32, #tpu.memory_space<hbm>>) dst(%arg8 : memref<80xi32, #tpu.memory_space<vmem>>)
        tpu.yield
      }) : () -> ()
      %dma_start3A = arith.constant 0 : i32
      %dma_start3A_18 = arith.constant 0 : i32
      %dma_start3A_19 = tpu.memref_slice %arg2[%dma_start3A, %dma_start3A_18] : memref<10000x16xf32, #tpu.memory_space<hbm>> -> memref<10000x16xf32, #tpu.memory_space<hbm>>
      tpu.enqueue_indirect_dma source(%dma_start3A_19 : memref<10000x16xf32, #tpu.memory_space<hbm>>) target(%arg9 : memref<80x16xf32, #tpu.memory_space<vmem>>) offsets(%arg7 : memref<80xi32, #tpu.memory_space<vmem>>) semaphore(%arg11 : memref<!tpu.dma_semaphore, #tpu.memory_space<semaphore_mem>>)
      %dma_wait3A = arith.constant 0 : i32
      %dma_wait3A_20 = arith.constant 0 : i32
      %dma_wait3A_21 = tpu.memref_slice %arg2[%dma_wait3A, %dma_wait3A_20] : memref<10000x16xf32, #tpu.memory_space<hbm>> -> memref<10000x16xf32, #tpu.memory_space<hbm>>
      tpu.wait_indirect_dma semaphore(%arg11 : memref<!tpu.dma_semaphore, #tpu.memory_space<semaphore_mem>>) src(%dma_wait3A_21 : memref<10000x16xf32, #tpu.memory_space<hbm>>) dst(%arg9 : memref<80x16xf32, #tpu.memory_space<vmem>>)
      "tpu.region"() ({
        %run_scoped3A = tpu.sem_alloc : memref<!tpu.dma_semaphore, #tpu.memory_space<semaphore_mem>>
        %dma_start3A_22 = arith.constant 0 : i32
        %dma_start3A_23 = arith.constant 0 : i32
        %dma_start3A_24 = tpu.memref_slice %arg10[%dma_start3A_22, %dma_start3A_23] : memref<10240x16xf32, #tpu.memory_space<vmem_shared>> -> memref<10240x16xf32, #tpu.memory_space<vmem_shared>>
        tpu.enqueue_indirect_dma source(%arg9 : memref<80x16xf32, #tpu.memory_space<vmem>>) target(%dma_start3A_24 : memref<10240x16xf32, #tpu.memory_space<vmem_shared>>) offsets(%arg8 : memref<80xi32, #tpu.memory_space<vmem>>) semaphore(%run_scoped3A : memref<!tpu.dma_semaphore, #tpu.memory_space<semaphore_mem>>) {add = true}
        %dma_wait3A_25 = arith.constant 0 : i32
        %dma_wait3A_26 = arith.constant 0 : i32
        %dma_wait3A_27 = tpu.memref_slice %arg10[%dma_wait3A_25, %dma_wait3A_26] : memref<10240x16xf32, #tpu.memory_space<vmem_shared>> -> memref<10240x16xf32, #tpu.memory_space<vmem_shared>>
        tpu.wait_indirect_dma semaphore(%run_scoped3A : memref<!tpu.dma_semaphore, #tpu.memory_space<semaphore_mem>>) src(%arg9 : memref<80x16xf32, #tpu.memory_space<vmem>>) dst(%dma_wait3A_27 : memref<10240x16xf32, #tpu.memory_space<vmem_shared>>)
        tpu.yield
      }) : () -> ()
    }
    %scan3A_9 = arith.constant 125 : i32
    %barrier3A_10 = arith.constant 0 : index
    tpu.barrier barrier_id(%barrier3A_10)
    %mul3A_11 = arith.constant 10240 : i32
    %mul3A_12 = arith.muli %arg0, %mul3A_11 : i32
    %add3A_13 = arith.addi %mul3A_12, %mul3A_0 : i32
    "tpu.region"() ({
      %run_scoped3A = tpu.sem_alloc : memref<!tpu.dma_semaphore, #tpu.memory_space<semaphore_mem>>
      %dma_start3A = arith.constant 0 : i32
      %dma_start3A_14 = tpu.memref_slice %arg6[%add3A_13, %dma_start3A] : memref<20480x16xf32, #tpu.memory_space<hbm>> -> memref<640x16xf32, #tpu.memory_space<hbm>>
      %dma_start3A_15 = arith.constant 0 : i32
      %dma_start3A_16 = tpu.memref_slice %arg10[%mul3A_0, %dma_start3A_15] : memref<10240x16xf32, #tpu.memory_space<vmem_shared>> -> memref<640x16xf32, #tpu.memory_space<vmem_shared>>
      tpu.enqueue_dma source(%dma_start3A_16 : memref<640x16xf32, #tpu.memory_space<vmem_shared>>) target(%dma_start3A_14 : memref<640x16xf32, #tpu.memory_space<hbm>>) target_semaphore(%run_scoped3A : memref<!tpu.dma_semaphore, #tpu.memory_space<semaphore_mem>>)
      %dma_wait3A = arith.constant 0 : i32
      %dma_wait3A_17 = tpu.memref_slice %arg6[%add3A_13, %dma_wait3A] : memref<20480x16xf32, #tpu.memory_space<hbm>> -> memref<640x16xf32, #tpu.memory_space<hbm>>
      %dma_wait3A_18 = arith.constant 0 : i32
      %dma_wait3A_19 = tpu.memref_slice %arg10[%mul3A_0, %dma_wait3A_18] : memref<10240x16xf32, #tpu.memory_space<vmem_shared>> -> memref<640x16xf32, #tpu.memory_space<vmem_shared>>
      tpu.wait_dma2 semaphore(%run_scoped3A : memref<!tpu.dma_semaphore, #tpu.memory_space<semaphore_mem>>) src(%dma_wait3A_19 : memref<640x16xf32, #tpu.memory_space<vmem_shared>>) dst(%dma_wait3A_17 : memref<640x16xf32, #tpu.memory_space<hbm>>)
      tpu.yield
    }) : () -> ()
    return
  }
}

#map = affine_map<(d0, d1) -> (0, 0)>
#map1 = affine_map<(d0, d1) -> (0)>
module attributes {stable_mosaic.version = 14 : i64} {
  func.func @k(%arg0: i32, %arg1: i32, %arg2: memref<20000x80xf32, #tpu.memory_space<hbm>>, %arg3: memref<320000xi32, #tpu.memory_space<hbm>>, %arg4: memref<320000xi32, #tpu.memory_space<hbm>>, %arg5: memref<10240x80xf32, #tpu.memory_space<hbm>>, %arg6: memref<20480x80xf32, #tpu.memory_space<hbm>>, %arg7: memref<80xi32, #tpu.memory_space<vmem>>, %arg8: memref<80xi32, #tpu.memory_space<vmem>>, %arg9: memref<80x80xf32, #tpu.memory_space<vmem>>, %arg10: memref<10240x80xf32, #tpu.memory_space<vmem_shared>>, %arg11: memref<!tpu.dma_semaphore, #tpu.memory_space<semaphore_mem>>) attributes {dimension_semantics = [#tpu.dimension_semantics<core_parallel>, #tpu.dimension_semantics<subcore_parallel>], iteration_bounds = array<i64: 2, 16>, scalar_prefetch = 0 : i64, scratch_operands = 5 : i64, tpu.core_type = #tpu.core_type<sc_vector_subcore>, window_params = [{transform_indices = #map}, {transform_indices = #map1}, {transform_indices = #map1}, {transform_indices = #map}, {transform_indices = #map}]} {
    %mul3A = arith.constant 640 : i32
    %mul3A_0 = arith.muli %arg1, %mul3A : i32
    "tpu.region"() ({
      %run_scoped3A = tpu.sem_alloc : memref<!tpu.dma_semaphore, #tpu.memory_space<semaphore_mem>>
      %dma_start3A = arith.constant 0 : i32
      %dma_start3A_13 = tpu.memref_slice %arg10[%mul3A_0, %dma_start3A] : memref<10240x80xf32, #tpu.memory_space<vmem_shared>> -> memref<640x80xf32, #tpu.memory_space<vmem_shared>>
      %dma_start3A_14 = arith.constant 0 : i32
      %dma_start3A_15 = tpu.memref_slice %arg5[%mul3A_0, %dma_start3A_14] : memref<10240x80xf32, #tpu.memory_space<hbm>> -> memref<640x80xf32, #tpu.memory_space<hbm>>
      tpu.enqueue_dma source(%dma_start3A_15 : memref<640x80xf32, #tpu.memory_space<hbm>>) target(%dma_start3A_13 : memref<640x80xf32, #tpu.memory_space<vmem_shared>>) target_semaphore(%run_scoped3A : memref<!tpu.dma_semaphore, #tpu.memory_space<semaphore_mem>>)
      %dma_wait3A = arith.constant 0 : i32
      %dma_wait3A_16 = tpu.memref_slice %arg10[%mul3A_0, %dma_wait3A] : memref<10240x80xf32, #tpu.memory_space<vmem_shared>> -> memref<640x80xf32, #tpu.memory_space<vmem_shared>>
      %dma_wait3A_17 = arith.constant 0 : i32
      %dma_wait3A_18 = tpu.memref_slice %arg5[%mul3A_0, %dma_wait3A_17] : memref<10240x80xf32, #tpu.memory_space<hbm>> -> memref<640x80xf32, #tpu.memory_space<hbm>>
      tpu.wait_dma2 semaphore(%run_scoped3A : memref<!tpu.dma_semaphore, #tpu.memory_space<semaphore_mem>>) src(%dma_wait3A_18 : memref<640x80xf32, #tpu.memory_space<hbm>>) dst(%dma_wait3A_16 : memref<640x80xf32, #tpu.memory_space<vmem_shared>>)
      tpu.yield
    }) : () -> ()
    %barrier3A = arith.constant 0 : index
    tpu.barrier barrier_id(%barrier3A)
    %mul3A_1 = arith.constant 20000 : i32
    %mul3A_2 = arith.muli %arg1, %mul3A_1 : i32
    %mul3A_3 = arith.constant 10000 : i32
    %mul3A_4 = arith.muli %arg0, %mul3A_3 : i32
    %scan3A = arith.constant 0 : i32
    %scan3A_5 = arith.constant 0 : i32
    %scan3A_6 = arith.constant 250 : i32
    %scan3A_7 = arith.addi %scan3A_5, %scan3A_6 : i32
    %scan3A_8 = arith.constant 1 : i32
    scf.for %scan3A_13 = %scan3A_5 to %scan3A_7 step %scan3A_8  : i32 {
      %mul3A_14 = arith.constant 80 : i32
      %mul3A_15 = arith.muli %scan3A_13, %mul3A_14 : i32
      %add3A_16 = arith.addi %mul3A_2, %mul3A_15 : i32
      %multiple_of3A = tpu.assume_multiple %add3A_16, 8 : i32
      "tpu.region"() ({
        %run_scoped3A = tpu.sem_alloc : memref<!tpu.dma_semaphore, #tpu.memory_space<semaphore_mem>>
        %dma_start3A_64 = tpu.memref_slice %arg3[%multiple_of3A] : memref<320000xi32, #tpu.memory_space<hbm>> -> memref<80xi32, #tpu.memory_space<hbm>>
        %dma_start3A_65 = tpu.memref_slice %arg3[%multiple_of3A] : memref<320000xi32, #tpu.memory_space<hbm>> -> memref<80xi32, #tpu.memory_space<hbm>>
        tpu.enqueue_dma source(%dma_start3A_65 : memref<80xi32, #tpu.memory_space<hbm>>) target(%arg7 : memref<80xi32, #tpu.memory_space<vmem>>) target_semaphore(%run_scoped3A : memref<!tpu.dma_semaphore, #tpu.memory_space<semaphore_mem>>)
        %dma_wait3A_66 = tpu.memref_slice %arg3[%multiple_of3A] : memref<320000xi32, #tpu.memory_space<hbm>> -> memref<80xi32, #tpu.memory_space<hbm>>
        %dma_wait3A_67 = tpu.memref_slice %arg3[%multiple_of3A] : memref<320000xi32, #tpu.memory_space<hbm>> -> memref<80xi32, #tpu.memory_space<hbm>>
        tpu.wait_dma2 semaphore(%run_scoped3A : memref<!tpu.dma_semaphore, #tpu.memory_space<semaphore_mem>>) src(%dma_wait3A_67 : memref<80xi32, #tpu.memory_space<hbm>>) dst(%arg7 : memref<80xi32, #tpu.memory_space<vmem>>)
        tpu.yield
      }) : () -> ()
      "tpu.region"() ({
        %run_scoped3A = tpu.sem_alloc : memref<!tpu.dma_semaphore, #tpu.memory_space<semaphore_mem>>
        %dma_start3A_64 = tpu.memref_slice %arg4[%multiple_of3A] : memref<320000xi32, #tpu.memory_space<hbm>> -> memref<80xi32, #tpu.memory_space<hbm>>
        %dma_start3A_65 = tpu.memref_slice %arg4[%multiple_of3A] : memref<320000xi32, #tpu.memory_space<hbm>> -> memref<80xi32, #tpu.memory_space<hbm>>
        tpu.enqueue_dma source(%dma_start3A_65 : memref<80xi32, #tpu.memory_space<hbm>>) target(%arg8 : memref<80xi32, #tpu.memory_space<vmem>>) target_semaphore(%run_scoped3A : memref<!tpu.dma_semaphore, #tpu.memory_space<semaphore_mem>>)
        %dma_wait3A_66 = tpu.memref_slice %arg4[%multiple_of3A] : memref<320000xi32, #tpu.memory_space<hbm>> -> memref<80xi32, #tpu.memory_space<hbm>>
        %dma_wait3A_67 = tpu.memref_slice %arg4[%multiple_of3A] : memref<320000xi32, #tpu.memory_space<hbm>> -> memref<80xi32, #tpu.memory_space<hbm>>
        tpu.wait_dma2 semaphore(%run_scoped3A : memref<!tpu.dma_semaphore, #tpu.memory_space<semaphore_mem>>) src(%dma_wait3A_67 : memref<80xi32, #tpu.memory_space<hbm>>) dst(%arg8 : memref<80xi32, #tpu.memory_space<vmem>>)
        tpu.yield
      }) : () -> ()
      %get3A = arith.constant 0 : index
      %get3A_17 = tpu.vector_load %arg7[%get3A] {strides = array<i32>} : memref<80xi32, #tpu.memory_space<vmem>>, vector<16xi32>,
      %get3A_18 = vector.shape_cast %get3A_17 : vector<16xi32> to vector<16xi32>
      %add3A_19 = vector.broadcast %mul3A_4 : i32 to vector<16xi32>
      %add3A_20 = arith.addi %get3A_18, %add3A_19 : vector<16xi32>
      %swap3A = arith.constant 0 : index
      %swap3A_21 = tpu.vector_load %arg7[%swap3A] {strides = array<i32>} : memref<80xi32, #tpu.memory_space<vmem>>, vector<16xi32>,
      %swap3A_22 = vector.shape_cast %swap3A_21 : vector<16xi32> to vector<16xi32>
      %swap3A_23 = vector.shape_cast %add3A_20 : vector<16xi32> to vector<16xi32>
      tpu.vector_store %arg7[%swap3A], %swap3A_23 {strides = array<i32>} : memref<80xi32, #tpu.memory_space<vmem>>, vector<16xi32>,
      %get3A_24 = arith.constant 16 : index
      %get3A_25 = tpu.vector_load %arg7[%get3A_24] {strides = array<i32>} : memref<80xi32, #tpu.memory_space<vmem>>, vector<16xi32>,
      %get3A_26 = vector.shape_cast %get3A_25 : vector<16xi32> to vector<16xi32>
      %add3A_27 = vector.broadcast %mul3A_4 : i32 to vector<16xi32>
      %add3A_28 = arith.addi %get3A_26, %add3A_27 : vector<16xi32>
      %swap3A_29 = arith.constant 16 : index
      %swap3A_30 = tpu.vector_load %arg7[%swap3A_29] {strides = array<i32>} : memref<80xi32, #tpu.memory_space<vmem>>, vector<16xi32>,
      %swap3A_31 = vector.shape_cast %swap3A_30 : vector<16xi32> to vector<16xi32>
      %swap3A_32 = vector.shape_cast %add3A_28 : vector<16xi32> to vector<16xi32>
      tpu.vector_store %arg7[%swap3A_29], %swap3A_32 {strides = array<i32>} : memref<80xi32, #tpu.memory_space<vmem>>, vector<16xi32>,
      %get3A_33 = arith.constant 32 : index
      %get3A_34 = tpu.vector_load %arg7[%get3A_33] {strides = array<i32>} : memref<80xi32, #tpu.memory_space<vmem>>, vector<16xi32>,
      %get3A_35 = vector.shape_cast %get3A_34 : vector<16xi32> to vector<16xi32>
      %add3A_36 = vector.broadcast %mul3A_4 : i32 to vector<16xi32>
      %add3A_37 = arith.addi %get3A_35, %add3A_36 : vector<16xi32>
      %swap3A_38 = arith.constant 32 : index
      %swap3A_39 = tpu.vector_load %arg7[%swap3A_38] {strides = array<i32>} : memref<80xi32, #tpu.memory_space<vmem>>, vector<16xi32>,
      %swap3A_40 = vector.shape_cast %swap3A_39 : vector<16xi32> to vector<16xi32>
      %swap3A_41 = vector.shape_cast %add3A_37 : vector<16xi32> to vector<16xi32>
      tpu.vector_store %arg7[%swap3A_38], %swap3A_41 {strides = array<i32>} : memref<80xi32, #tpu.memory_space<vmem>>, vector<16xi32>,
      %get3A_42 = arith.constant 48 : index
      %get3A_43 = tpu.vector_load %arg7[%get3A_42] {strides = array<i32>} : memref<80xi32, #tpu.memory_space<vmem>>, vector<16xi32>,
      %get3A_44 = vector.shape_cast %get3A_43 : vector<16xi32> to vector<16xi32>
      %add3A_45 = vector.broadcast %mul3A_4 : i32 to vector<16xi32>
      %add3A_46 = arith.addi %get3A_44, %add3A_45 : vector<16xi32>
      %swap3A_47 = arith.constant 48 : index
      %swap3A_48 = tpu.vector_load %arg7[%swap3A_47] {strides = array<i32>} : memref<80xi32, #tpu.memory_space<vmem>>, vector<16xi32>,
      %swap3A_49 = vector.shape_cast %swap3A_48 : vector<16xi32> to vector<16xi32>
      %swap3A_50 = vector.shape_cast %add3A_46 : vector<16xi32> to vector<16xi32>
      tpu.vector_store %arg7[%swap3A_47], %swap3A_50 {strides = array<i32>} : memref<80xi32, #tpu.memory_space<vmem>>, vector<16xi32>,
      %get3A_51 = arith.constant 64 : index
      %get3A_52 = tpu.vector_load %arg7[%get3A_51] {strides = array<i32>} : memref<80xi32, #tpu.memory_space<vmem>>, vector<16xi32>,
      %get3A_53 = vector.shape_cast %get3A_52 : vector<16xi32> to vector<16xi32>
      %add3A_54 = vector.broadcast %mul3A_4 : i32 to vector<16xi32>
      %add3A_55 = arith.addi %get3A_53, %add3A_54 : vector<16xi32>
      %swap3A_56 = arith.constant 64 : index
      %swap3A_57 = tpu.vector_load %arg7[%swap3A_56] {strides = array<i32>} : memref<80xi32, #tpu.memory_space<vmem>>, vector<16xi32>,
      %swap3A_58 = vector.shape_cast %swap3A_57 : vector<16xi32> to vector<16xi32>
      %swap3A_59 = vector.shape_cast %add3A_55 : vector<16xi32> to vector<16xi32>
      tpu.vector_store %arg7[%swap3A_56], %swap3A_59 {strides = array<i32>} : memref<80xi32, #tpu.memory_space<vmem>>, vector<16xi32>,
      %dma_start3A = arith.constant 0 : i32
      %dma_start3A_60 = arith.constant 0 : i32
      %dma_start3A_61 = tpu.memref_slice %arg2[%dma_start3A, %dma_start3A_60] : memref<20000x80xf32, #tpu.memory_space<hbm>> -> memref<20000x80xf32, #tpu.memory_space<hbm>>
      tpu.enqueue_indirect_dma source(%dma_start3A_61 : memref<20000x80xf32, #tpu.memory_space<hbm>>) target(%arg9 : memref<80x80xf32, #tpu.memory_space<vmem>>) offsets(%arg7 : memref<80xi32, #tpu.memory_space<vmem>>) semaphore(%arg11 : memref<!tpu.dma_semaphore, #tpu.memory_space<semaphore_mem>>)
      %dma_wait3A = arith.constant 0 : i32
      %dma_wait3A_62 = arith.constant 0 : i32
      %dma_wait3A_63 = tpu.memref_slice %arg2[%dma_wait3A, %dma_wait3A_62] : memref<20000x80xf32, #tpu.memory_space<hbm>> -> memref<20000x80xf32, #tpu.memory_space<hbm>>
      tpu.wait_indirect_dma semaphore(%arg11 : memref<!tpu.dma_semaphore, #tpu.memory_space<semaphore_mem>>) src(%dma_wait3A_63 : memref<20000x80xf32, #tpu.memory_space<hbm>>) dst(%arg9 : memref<80x80xf32, #tpu.memory_space<vmem>>)
      "tpu.region"() ({
        %run_scoped3A = tpu.sem_alloc : memref<!tpu.dma_semaphore, #tpu.memory_space<semaphore_mem>>
        %dma_start3A_64 = arith.constant 0 : i32
        %dma_start3A_65 = arith.constant 0 : i32
        %dma_start3A_66 = tpu.memref_slice %arg10[%dma_start3A_64, %dma_start3A_65] : memref<10240x80xf32, #tpu.memory_space<vmem_shared>> -> memref<10240x80xf32, #tpu.memory_space<vmem_shared>>
        tpu.enqueue_indirect_dma source(%arg9 : memref<80x80xf32, #tpu.memory_space<vmem>>) target(%dma_start3A_66 : memref<10240x80xf32, #tpu.memory_space<vmem_shared>>) offsets(%arg8 : memref<80xi32, #tpu.memory_space<vmem>>) semaphore(%run_scoped3A : memref<!tpu.dma_semaphore, #tpu.memory_space<semaphore_mem>>) {add = true}
        %dma_wait3A_67 = arith.constant 0 : i32
        %dma_wait3A_68 = arith.constant 0 : i32
        %dma_wait3A_69 = tpu.memref_slice %arg10[%dma_wait3A_67, %dma_wait3A_68] : memref<10240x80xf32, #tpu.memory_space<vmem_shared>> -> memref<10240x80xf32, #tpu.memory_space<vmem_shared>>
        tpu.wait_indirect_dma semaphore(%run_scoped3A : memref<!tpu.dma_semaphore, #tpu.memory_space<semaphore_mem>>) src(%arg9 : memref<80x80xf32, #tpu.memory_space<vmem>>) dst(%dma_wait3A_69 : memref<10240x80xf32, #tpu.memory_space<vmem_shared>>)
        tpu.yield
      }) : () -> ()
    }
    %scan3A_9 = arith.constant 250 : i32
    %barrier3A_10 = arith.constant 0 : index
    tpu.barrier barrier_id(%barrier3A_10)
    %mul3A_11 = arith.constant 10240 : i32
    %mul3A_12 = arith.muli %arg0, %mul3A_11 : i32
    %add3A = arith.addi %mul3A_12, %mul3A_0 : i32
    "tpu.region"() ({
      %run_scoped3A = tpu.sem_alloc : memref<!tpu.dma_semaphore, #tpu.memory_space<semaphore_mem>>
      %dma_start3A = arith.constant 0 : i32
      %dma_start3A_13 = tpu.memref_slice %arg6[%add3A, %dma_start3A] : memref<20480x80xf32, #tpu.memory_space<hbm>> -> memref<640x80xf32, #tpu.memory_space<hbm>>
      %dma_start3A_14 = arith.constant 0 : i32
      %dma_start3A_15 = tpu.memref_slice %arg10[%mul3A_0, %dma_start3A_14] : memref<10240x80xf32, #tpu.memory_space<vmem_shared>> -> memref<640x80xf32, #tpu.memory_space<vmem_shared>>
      tpu.enqueue_dma source(%dma_start3A_15 : memref<640x80xf32, #tpu.memory_space<vmem_shared>>) target(%dma_start3A_13 : memref<640x80xf32, #tpu.memory_space<hbm>>) target_semaphore(%run_scoped3A : memref<!tpu.dma_semaphore, #tpu.memory_space<semaphore_mem>>)
      %dma_wait3A = arith.constant 0 : i32
      %dma_wait3A_16 = tpu.memref_slice %arg6[%add3A, %dma_wait3A] : memref<20480x80xf32, #tpu.memory_space<hbm>> -> memref<640x80xf32, #tpu.memory_space<hbm>>
      %dma_wait3A_17 = arith.constant 0 : i32
      %dma_wait3A_18 = tpu.memref_slice %arg10[%mul3A_0, %dma_wait3A_17] : memref<10240x80xf32, #tpu.memory_space<vmem_shared>> -> memref<640x80xf32, #tpu.memory_space<vmem_shared>>
      tpu.wait_dma2 semaphore(%run_scoped3A : memref<!tpu.dma_semaphore, #tpu.memory_space<semaphore_mem>>) src(%dma_wait3A_18 : memref<640x80xf32, #tpu.memory_space<vmem_shared>>) dst(%dma_wait3A_16 : memref<640x80xf32, #tpu.memory_space<hbm>>)
      tpu.yield
    }) : () -> ()
    return
  }
}

#map = affine_map<(d0, d1) -> (0, 0)>
#map1 = affine_map<(d0, d1) -> (0)>
module attributes {stable_mosaic.version = 14 : i64} {
  func.func @k(%arg0: i32, %arg1: i32, %arg2: memref<20000x128xf32, #tpu.memory_space<hbm>>, %arg3: memref<320000xi32, #tpu.memory_space<hbm>>, %arg4: memref<320000xi32, #tpu.memory_space<hbm>>, %arg5: memref<10240x128xf32, #tpu.memory_space<hbm>>, %arg6: memref<20480x128xf32, #tpu.memory_space<hbm>>, %arg7: memref<80xi32, #tpu.memory_space<vmem>>, %arg8: memref<80xi32, #tpu.memory_space<vmem>>, %arg9: memref<80x128xf32, #tpu.memory_space<vmem>>, %arg10: memref<10240x128xf32, #tpu.memory_space<vmem_shared>>, %arg11: memref<!tpu.dma_semaphore, #tpu.memory_space<semaphore_mem>>) attributes {dimension_semantics = [#tpu.dimension_semantics<core_parallel>, #tpu.dimension_semantics<subcore_parallel>], iteration_bounds = array<i64: 2, 16>, scalar_prefetch = 0 : i64, scratch_operands = 5 : i64, tpu.core_type = #tpu.core_type<sc_vector_subcore>, window_params = [{transform_indices = #map}, {transform_indices = #map1}, {transform_indices = #map1}, {transform_indices = #map}, {transform_indices = #map}]} {
    %mul3A = arith.constant 640 : i32
    %mul3A_0 = arith.muli %arg1, %mul3A : i32
    "tpu.region"() ({
      %run_scoped3A = tpu.sem_alloc : memref<!tpu.dma_semaphore, #tpu.memory_space<semaphore_mem>>
      %dma_start3A = arith.constant 0 : i32
      %dma_start3A_13 = tpu.memref_slice %arg10[%mul3A_0, %dma_start3A] : memref<10240x128xf32, #tpu.memory_space<vmem_shared>> -> memref<640x128xf32, #tpu.memory_space<vmem_shared>>
      %dma_start3A_14 = arith.constant 0 : i32
      %dma_start3A_15 = tpu.memref_slice %arg5[%mul3A_0, %dma_start3A_14] : memref<10240x128xf32, #tpu.memory_space<hbm>> -> memref<640x128xf32, #tpu.memory_space<hbm>>
      tpu.enqueue_dma source(%dma_start3A_15 : memref<640x128xf32, #tpu.memory_space<hbm>>) target(%dma_start3A_13 : memref<640x128xf32, #tpu.memory_space<vmem_shared>>) target_semaphore(%run_scoped3A : memref<!tpu.dma_semaphore, #tpu.memory_space<semaphore_mem>>)
      %dma_wait3A = arith.constant 0 : i32
      %dma_wait3A_16 = tpu.memref_slice %arg10[%mul3A_0, %dma_wait3A] : memref<10240x128xf32, #tpu.memory_space<vmem_shared>> -> memref<640x128xf32, #tpu.memory_space<vmem_shared>>
      %dma_wait3A_17 = arith.constant 0 : i32
      %dma_wait3A_18 = tpu.memref_slice %arg5[%mul3A_0, %dma_wait3A_17] : memref<10240x128xf32, #tpu.memory_space<hbm>> -> memref<640x128xf32, #tpu.memory_space<hbm>>
      tpu.wait_dma2 semaphore(%run_scoped3A : memref<!tpu.dma_semaphore, #tpu.memory_space<semaphore_mem>>) src(%dma_wait3A_18 : memref<640x128xf32, #tpu.memory_space<hbm>>) dst(%dma_wait3A_16 : memref<640x128xf32, #tpu.memory_space<vmem_shared>>)
      tpu.yield
    }) : () -> ()
    %barrier3A = arith.constant 0 : index
    tpu.barrier barrier_id(%barrier3A)
    %mul3A_1 = arith.constant 20000 : i32
    %mul3A_2 = arith.muli %arg1, %mul3A_1 : i32
    %mul3A_3 = arith.constant 10000 : i32
    %mul3A_4 = arith.muli %arg0, %mul3A_3 : i32
    %scan3A = arith.constant 0 : i32
    %scan3A_5 = arith.constant 0 : i32
    %scan3A_6 = arith.constant 250 : i32
    %scan3A_7 = arith.addi %scan3A_5, %scan3A_6 : i32
    %scan3A_8 = arith.constant 1 : i32
    scf.for %scan3A_13 = %scan3A_5 to %scan3A_7 step %scan3A_8  : i32 {
      %mul3A_14 = arith.constant 80 : i32
      %mul3A_15 = arith.muli %scan3A_13, %mul3A_14 : i32
      %add3A_16 = arith.addi %mul3A_2, %mul3A_15 : i32
      %multiple_of3A = tpu.assume_multiple %add3A_16, 8 : i32
      "tpu.region"() ({
        %run_scoped3A = tpu.sem_alloc : memref<!tpu.dma_semaphore, #tpu.memory_space<semaphore_mem>>
        %dma_start3A_64 = tpu.memref_slice %arg3[%multiple_of3A] : memref<320000xi32, #tpu.memory_space<hbm>> -> memref<80xi32, #tpu.memory_space<hbm>>
        %dma_start3A_65 = tpu.memref_slice %arg3[%multiple_of3A] : memref<320000xi32, #tpu.memory_space<hbm>> -> memref<80xi32, #tpu.memory_space<hbm>>
        tpu.enqueue_dma source(%dma_start3A_65 : memref<80xi32, #tpu.memory_space<hbm>>) target(%arg7 : memref<80xi32, #tpu.memory_space<vmem>>) target_semaphore(%run_scoped3A : memref<!tpu.dma_semaphore, #tpu.memory_space<semaphore_mem>>)
        %dma_wait3A_66 = tpu.memref_slice %arg3[%multiple_of3A] : memref<320000xi32, #tpu.memory_space<hbm>> -> memref<80xi32, #tpu.memory_space<hbm>>
        %dma_wait3A_67 = tpu.memref_slice %arg3[%multiple_of3A] : memref<320000xi32, #tpu.memory_space<hbm>> -> memref<80xi32, #tpu.memory_space<hbm>>
        tpu.wait_dma2 semaphore(%run_scoped3A : memref<!tpu.dma_semaphore, #tpu.memory_space<semaphore_mem>>) src(%dma_wait3A_67 : memref<80xi32, #tpu.memory_space<hbm>>) dst(%arg7 : memref<80xi32, #tpu.memory_space<vmem>>)
        tpu.yield
      }) : () -> ()
      "tpu.region"() ({
        %run_scoped3A = tpu.sem_alloc : memref<!tpu.dma_semaphore, #tpu.memory_space<semaphore_mem>>
        %dma_start3A_64 = tpu.memref_slice %arg4[%multiple_of3A] : memref<320000xi32, #tpu.memory_space<hbm>> -> memref<80xi32, #tpu.memory_space<hbm>>
        %dma_start3A_65 = tpu.memref_slice %arg4[%multiple_of3A] : memref<320000xi32, #tpu.memory_space<hbm>> -> memref<80xi32, #tpu.memory_space<hbm>>
        tpu.enqueue_dma source(%dma_start3A_65 : memref<80xi32, #tpu.memory_space<hbm>>) target(%arg8 : memref<80xi32, #tpu.memory_space<vmem>>) target_semaphore(%run_scoped3A : memref<!tpu.dma_semaphore, #tpu.memory_space<semaphore_mem>>)
        %dma_wait3A_66 = tpu.memref_slice %arg4[%multiple_of3A] : memref<320000xi32, #tpu.memory_space<hbm>> -> memref<80xi32, #tpu.memory_space<hbm>>
        %dma_wait3A_67 = tpu.memref_slice %arg4[%multiple_of3A] : memref<320000xi32, #tpu.memory_space<hbm>> -> memref<80xi32, #tpu.memory_space<hbm>>
        tpu.wait_dma2 semaphore(%run_scoped3A : memref<!tpu.dma_semaphore, #tpu.memory_space<semaphore_mem>>) src(%dma_wait3A_67 : memref<80xi32, #tpu.memory_space<hbm>>) dst(%arg8 : memref<80xi32, #tpu.memory_space<vmem>>)
        tpu.yield
      }) : () -> ()
      %get3A = arith.constant 0 : index
      %get3A_17 = tpu.vector_load %arg7[%get3A] {strides = array<i32>} : memref<80xi32, #tpu.memory_space<vmem>>, vector<16xi32>,
      %get3A_18 = vector.shape_cast %get3A_17 : vector<16xi32> to vector<16xi32>
      %add3A_19 = vector.broadcast %mul3A_4 : i32 to vector<16xi32>
      %add3A_20 = arith.addi %get3A_18, %add3A_19 : vector<16xi32>
      %swap3A = arith.constant 0 : index
      %swap3A_21 = tpu.vector_load %arg7[%swap3A] {strides = array<i32>} : memref<80xi32, #tpu.memory_space<vmem>>, vector<16xi32>,
      %swap3A_22 = vector.shape_cast %swap3A_21 : vector<16xi32> to vector<16xi32>
      %swap3A_23 = vector.shape_cast %add3A_20 : vector<16xi32> to vector<16xi32>
      tpu.vector_store %arg7[%swap3A], %swap3A_23 {strides = array<i32>} : memref<80xi32, #tpu.memory_space<vmem>>, vector<16xi32>,
      %get3A_24 = arith.constant 16 : index
      %get3A_25 = tpu.vector_load %arg7[%get3A_24] {strides = array<i32>} : memref<80xi32, #tpu.memory_space<vmem>>, vector<16xi32>,
      %get3A_26 = vector.shape_cast %get3A_25 : vector<16xi32> to vector<16xi32>
      %add3A_27 = vector.broadcast %mul3A_4 : i32 to vector<16xi32>
      %add3A_28 = arith.addi %get3A_26, %add3A_27 : vector<16xi32>
      %swap3A_29 = arith.constant 16 : index
      %swap3A_30 = tpu.vector_load %arg7[%swap3A_29] {strides = array<i32>} : memref<80xi32, #tpu.memory_space<vmem>>, vector<16xi32>,
      %swap3A_31 = vector.shape_cast %swap3A_30 : vector<16xi32> to vector<16xi32>
      %swap3A_32 = vector.shape_cast %add3A_28 : vector<16xi32> to vector<16xi32>
      tpu.vector_store %arg7[%swap3A_29], %swap3A_32 {strides = array<i32>} : memref<80xi32, #tpu.memory_space<vmem>>, vector<16xi32>,
      %get3A_33 = arith.constant 32 : index
      %get3A_34 = tpu.vector_load %arg7[%get3A_33] {strides = array<i32>} : memref<80xi32, #tpu.memory_space<vmem>>, vector<16xi32>,
      %get3A_35 = vector.shape_cast %get3A_34 : vector<16xi32> to vector<16xi32>
      %add3A_36 = vector.broadcast %mul3A_4 : i32 to vector<16xi32>
      %add3A_37 = arith.addi %get3A_35, %add3A_36 : vector<16xi32>
      %swap3A_38 = arith.constant 32 : index
      %swap3A_39 = tpu.vector_load %arg7[%swap3A_38] {strides = array<i32>} : memref<80xi32, #tpu.memory_space<vmem>>, vector<16xi32>,
      %swap3A_40 = vector.shape_cast %swap3A_39 : vector<16xi32> to vector<16xi32>
      %swap3A_41 = vector.shape_cast %add3A_37 : vector<16xi32> to vector<16xi32>
      tpu.vector_store %arg7[%swap3A_38], %swap3A_41 {strides = array<i32>} : memref<80xi32, #tpu.memory_space<vmem>>, vector<16xi32>,
      %get3A_42 = arith.constant 48 : index
      %get3A_43 = tpu.vector_load %arg7[%get3A_42] {strides = array<i32>} : memref<80xi32, #tpu.memory_space<vmem>>, vector<16xi32>,
      %get3A_44 = vector.shape_cast %get3A_43 : vector<16xi32> to vector<16xi32>
      %add3A_45 = vector.broadcast %mul3A_4 : i32 to vector<16xi32>
      %add3A_46 = arith.addi %get3A_44, %add3A_45 : vector<16xi32>
      %swap3A_47 = arith.constant 48 : index
      %swap3A_48 = tpu.vector_load %arg7[%swap3A_47] {strides = array<i32>} : memref<80xi32, #tpu.memory_space<vmem>>, vector<16xi32>,
      %swap3A_49 = vector.shape_cast %swap3A_48 : vector<16xi32> to vector<16xi32>
      %swap3A_50 = vector.shape_cast %add3A_46 : vector<16xi32> to vector<16xi32>
      tpu.vector_store %arg7[%swap3A_47], %swap3A_50 {strides = array<i32>} : memref<80xi32, #tpu.memory_space<vmem>>, vector<16xi32>,
      %get3A_51 = arith.constant 64 : index
      %get3A_52 = tpu.vector_load %arg7[%get3A_51] {strides = array<i32>} : memref<80xi32, #tpu.memory_space<vmem>>, vector<16xi32>,
      %get3A_53 = vector.shape_cast %get3A_52 : vector<16xi32> to vector<16xi32>
      %add3A_54 = vector.broadcast %mul3A_4 : i32 to vector<16xi32>
      %add3A_55 = arith.addi %get3A_53, %add3A_54 : vector<16xi32>
      %swap3A_56 = arith.constant 64 : index
      %swap3A_57 = tpu.vector_load %arg7[%swap3A_56] {strides = array<i32>} : memref<80xi32, #tpu.memory_space<vmem>>, vector<16xi32>,
      %swap3A_58 = vector.shape_cast %swap3A_57 : vector<16xi32> to vector<16xi32>
      %swap3A_59 = vector.shape_cast %add3A_55 : vector<16xi32> to vector<16xi32>
      tpu.vector_store %arg7[%swap3A_56], %swap3A_59 {strides = array<i32>} : memref<80xi32, #tpu.memory_space<vmem>>, vector<16xi32>,
      %dma_start3A = arith.constant 0 : i32
      %dma_start3A_60 = arith.constant 0 : i32
      %dma_start3A_61 = tpu.memref_slice %arg2[%dma_start3A, %dma_start3A_60] : memref<20000x128xf32, #tpu.memory_space<hbm>> -> memref<20000x128xf32, #tpu.memory_space<hbm>>
      tpu.enqueue_indirect_dma source(%dma_start3A_61 : memref<20000x128xf32, #tpu.memory_space<hbm>>) target(%arg9 : memref<80x128xf32, #tpu.memory_space<vmem>>) offsets(%arg7 : memref<80xi32, #tpu.memory_space<vmem>>) semaphore(%arg11 : memref<!tpu.dma_semaphore, #tpu.memory_space<semaphore_mem>>)
      %dma_wait3A = arith.constant 0 : i32
      %dma_wait3A_62 = arith.constant 0 : i32
      %dma_wait3A_63 = tpu.memref_slice %arg2[%dma_wait3A, %dma_wait3A_62] : memref<20000x128xf32, #tpu.memory_space<hbm>> -> memref<20000x128xf32, #tpu.memory_space<hbm>>
      tpu.wait_indirect_dma semaphore(%arg11 : memref<!tpu.dma_semaphore, #tpu.memory_space<semaphore_mem>>) src(%dma_wait3A_63 : memref<20000x128xf32, #tpu.memory_space<hbm>>) dst(%arg9 : memref<80x128xf32, #tpu.memory_space<vmem>>)
      "tpu.region"() ({
        %run_scoped3A = tpu.sem_alloc : memref<!tpu.dma_semaphore, #tpu.memory_space<semaphore_mem>>
        %dma_start3A_64 = arith.constant 0 : i32
        %dma_start3A_65 = arith.constant 0 : i32
        %dma_start3A_66 = tpu.memref_slice %arg10[%dma_start3A_64, %dma_start3A_65] : memref<10240x128xf32, #tpu.memory_space<vmem_shared>> -> memref<10240x128xf32, #tpu.memory_space<vmem_shared>>
        tpu.enqueue_indirect_dma source(%arg9 : memref<80x128xf32, #tpu.memory_space<vmem>>) target(%dma_start3A_66 : memref<10240x128xf32, #tpu.memory_space<vmem_shared>>) offsets(%arg8 : memref<80xi32, #tpu.memory_space<vmem>>) semaphore(%run_scoped3A : memref<!tpu.dma_semaphore, #tpu.memory_space<semaphore_mem>>) {add = true}
        %dma_wait3A_67 = arith.constant 0 : i32
        %dma_wait3A_68 = arith.constant 0 : i32
        %dma_wait3A_69 = tpu.memref_slice %arg10[%dma_wait3A_67, %dma_wait3A_68] : memref<10240x128xf32, #tpu.memory_space<vmem_shared>> -> memref<10240x128xf32, #tpu.memory_space<vmem_shared>>
        tpu.wait_indirect_dma semaphore(%run_scoped3A : memref<!tpu.dma_semaphore, #tpu.memory_space<semaphore_mem>>) src(%arg9 : memref<80x128xf32, #tpu.memory_space<vmem>>) dst(%dma_wait3A_69 : memref<10240x128xf32, #tpu.memory_space<vmem_shared>>)
        tpu.yield
      }) : () -> ()
    }
    %scan3A_9 = arith.constant 250 : i32
    %barrier3A_10 = arith.constant 0 : index
    tpu.barrier barrier_id(%barrier3A_10)
    %mul3A_11 = arith.constant 10240 : i32
    %mul3A_12 = arith.muli %arg0, %mul3A_11 : i32
    %add3A = arith.addi %mul3A_12, %mul3A_0 : i32
    "tpu.region"() ({
      %run_scoped3A = tpu.sem_alloc : memref<!tpu.dma_semaphore, #tpu.memory_space<semaphore_mem>>
      %dma_start3A = arith.constant 0 : i32
      %dma_start3A_13 = tpu.memref_slice %arg6[%add3A, %dma_start3A] : memref<20480x128xf32, #tpu.memory_space<hbm>> -> memref<640x128xf32, #tpu.memory_space<hbm>>
      %dma_start3A_14 = arith.constant 0 : i32
      %dma_start3A_15 = tpu.memref_slice %arg10[%mul3A_0, %dma_start3A_14] : memref<10240x128xf32, #tpu.memory_space<vmem_shared>> -> memref<640x128xf32, #tpu.memory_space<vmem_shared>>
      tpu.enqueue_dma source(%dma_start3A_15 : memref<640x128xf32, #tpu.memory_space<vmem_shared>>) target(%dma_start3A_13 : memref<640x128xf32, #tpu.memory_space<hbm>>) target_semaphore(%run_scoped3A : memref<!tpu.dma_semaphore, #tpu.memory_space<semaphore_mem>>)
      %dma_wait3A = arith.constant 0 : i32
      %dma_wait3A_16 = tpu.memref_slice %arg6[%add3A, %dma_wait3A] : memref<20480x128xf32, #tpu.memory_space<hbm>> -> memref<640x128xf32, #tpu.memory_space<hbm>>
      %dma_wait3A_17 = arith.constant 0 : i32
      %dma_wait3A_18 = tpu.memref_slice %arg10[%mul3A_0, %dma_wait3A_17] : memref<10240x128xf32, #tpu.memory_space<vmem_shared>> -> memref<640x128xf32, #tpu.memory_space<vmem_shared>>
      tpu.wait_dma2 semaphore(%run_scoped3A : memref<!tpu.dma_semaphore, #tpu.memory_space<semaphore_mem>>) src(%dma_wait3A_18 : memref<640x128xf32, #tpu.memory_space<vmem_shared>>) dst(%dma_wait3A_16 : memref<640x128xf32, #tpu.memory_space<hbm>>)
      tpu.yield
    }) : () -> ()
    return
  }
}

module attributes {stable_mosaic.version = 14 : i64} {
  func.func @body(%arg0: memref<20480x80xf32, #tpu.memory_space<vmem>>, %arg1: memref<10000x128xf32, #tpu.memory_space<vmem>>, %arg2: memref<256x128xf32, #tpu.memory_space<vmem>>, %arg3: memref<1x256xf32, #tpu.memory_space<vmem>>, %arg4: memref<256x128xf32, #tpu.memory_space<vmem>>, %arg5: memref<1x256xf32, #tpu.memory_space<vmem>>, %arg6: memref<1x256xf32, #tpu.memory_space<vmem>>, %arg7: memref<10000x128xf32, #tpu.memory_space<vmem>>, %arg8: memref<10000x128xf32, #tpu.memory_space<vmem>>, %arg9: memref<10000x1xf32, #tpu.memory_space<vmem>>) attributes {dimension_semantics = [], scalar_prefetch = 0 : i64, scratch_operands = 0 : i64, tpu.core_type = #tpu.core_type<tc>} {
    %get3A = arith.constant 0 : index
    %get3A_0 = arith.constant 64 : index
    %get3A_1 = vector.load %arg0[%get3A, %get3A_0] : memref<20480x80xf32, #tpu.memory_space<vmem>>, vector<10000x1xf32>
    %max3A = arith.constant 1.000000e+00 : f32
    %max3A_2 = vector.broadcast %max3A : f32 to vector<10000x1xf32>
    %max3A_3 = arith.maximumf %get3A_1, %max3A_2 : vector<10000x1xf32>
    %div3A = arith.constant 1.000000e+00 : f32
    %div3A_4 = vector.broadcast %div3A : f32 to vector<10000x1xf32>
    %div3A_5 = arith.divf %div3A_4, %max3A_3 : vector<10000x1xf32>
    %get3A_6 = arith.constant 0 : index
    %get3A_7 = arith.constant 0 : index
    %get3A_8 = vector.load %arg0[%get3A_6, %get3A_7] : memref<20480x80xf32, #tpu.memory_space<vmem>>, vector<10000x64xf32>
    %get3A_9 = arith.constant 10240 : index
    %get3A_10 = arith.constant 0 : index
    %get3A_11 = vector.load %arg0[%get3A_9, %get3A_10] : memref<20480x80xf32, #tpu.memory_space<vmem>>, vector<10000x64xf32>
    %concatenate3A = tpu.concatenate %get3A_8, %get3A_11 in 1 : vector<10000x64xf32>, vector<10000x64xf32> -> vector<10000x128xf32>
    %mul3A = vector.broadcast %div3A_5 : vector<10000x1xf32> to vector<10000x128xf32>
    %mul3A_12 = arith.mulf %concatenate3A, %mul3A : vector<10000x128xf32>
    %get3A_13 = arith.constant 0 : index
    %get3A_14 = arith.constant 0 : index
    %get3A_15 = vector.load %arg2[%get3A_13, %get3A_14] : memref<256x128xf32, #tpu.memory_space<vmem>>, vector<256x128xf32>
    %dot_general3A = arith.constant dense<0.000000e+00> : vector<10000x256xf32>
    %dot_general3A_16 = tpu.matmul %mul3A_12, %get3A_15, %dot_general3A {dimension_numbers = #tpu.dot_dimension_numbers<[1], [1], [0], [0], [0, 0, 1, 0], [], []>, transpose_lhs_hint = false} : vector<10000x128xf32>, vector<256x128xf32>, vector<10000x256xf32> -> vector<10000x256xf32>
    %get3A_17 = arith.constant 0 : index
    %get3A_18 = arith.constant 0 : index
    %get3A_19 = vector.load %arg3[%get3A_17, %get3A_18] : memref<1x256xf32, #tpu.memory_space<vmem>>, vector<1x256xf32>
    %add3A = vector.broadcast %get3A_19 : vector<1x256xf32> to vector<10000x256xf32>
    %add3A_20 = arith.addf %dot_general3A_16, %add3A : vector<10000x256xf32>
    %get3A_21 = arith.constant 0 : index
    %get3A_22 = arith.constant 0 : index
    %get3A_23 = vector.load %arg1[%get3A_21, %get3A_22] : memref<10000x128xf32, #tpu.memory_space<vmem>>, vector<10000x128xf32>
    %get3A_24 = arith.constant 0 : index
    %get3A_25 = arith.constant 0 : index
    %get3A_26 = vector.load %arg4[%get3A_24, %get3A_25] : memref<256x128xf32, #tpu.memory_space<vmem>>, vector<256x128xf32>
    %dot_general3A_27 = arith.constant dense<0.000000e+00> : vector<10000x256xf32>
    %dot_general3A_28 = tpu.matmul %get3A_23, %get3A_26, %dot_general3A_27 {dimension_numbers = #tpu.dot_dimension_numbers<[1], [1], [0], [0], [0, 0, 1, 0], [], []>, transpose_lhs_hint = false} : vector<10000x128xf32>, vector<256x128xf32>, vector<10000x256xf32> -> vector<10000x256xf32>
    %add3A_29 = arith.addf %add3A_20, %dot_general3A_28 : vector<10000x256xf32>
    %reduce_sum3A = arith.constant dense<0.000000e+00> : vector<256xf32>
    %reduce_sum3A_30 = vector.multi_reduction <add>, %add3A_29, %reduce_sum3A [0] : vector<10000x256xf32> to vector<256xf32>
    %broadcast_in_dim3A = vector.shape_cast %reduce_sum3A_30 : vector<256xf32> to vector<1x256xf32>
    %div3A_31 = arith.constant 1.000000e+04 : f32
    %div3A_32 = vector.broadcast %div3A_31 : f32 to vector<1x256xf32>
    %div3A_33 = arith.divf %broadcast_in_dim3A, %div3A_32 : vector<1x256xf32>
    %sub3A = vector.broadcast %div3A_33 : vector<1x256xf32> to vector<10000x256xf32>
    %sub3A_34 = arith.subf %add3A_29, %sub3A : vector<10000x256xf32>
    %mul3A_35 = arith.mulf %sub3A_34, %sub3A_34 : vector<10000x256xf32>
    %reduce_sum3A_36 = arith.constant dense<0.000000e+00> : vector<256xf32>
    %reduce_sum3A_37 = vector.multi_reduction <add>, %mul3A_35, %reduce_sum3A_36 [0] : vector<10000x256xf32> to vector<256xf32>
    %broadcast_in_dim3A_38 = vector.shape_cast %reduce_sum3A_37 : vector<256xf32> to vector<1x256xf32>
    %div3A_39 = arith.constant 1.000000e+04 : f32
    %div3A_40 = vector.broadcast %div3A_39 : f32 to vector<1x256xf32>
    %div3A_41 = arith.divf %broadcast_in_dim3A_38, %div3A_40 : vector<1x256xf32>
    %get3A_42 = arith.constant 0 : index
    %get3A_43 = arith.constant 0 : index
    %get3A_44 = vector.load %arg5[%get3A_42, %get3A_43] : memref<1x256xf32, #tpu.memory_space<vmem>>, vector<1x256xf32>
    %mul3A_45 = vector.broadcast %get3A_44 : vector<1x256xf32> to vector<10000x256xf32>
    %mul3A_46 = arith.mulf %mul3A_45, %sub3A_34 : vector<10000x256xf32>
    %add3A_47 = arith.constant 9.99999974E-6 : f32
    %add3A_48 = vector.broadcast %add3A_47 : f32 to vector<1x256xf32>
    %add3A_49 = arith.addf %div3A_41, %add3A_48 : vector<1x256xf32>
    %rsqrt3A = math.rsqrt %add3A_49 : vector<1x256xf32>
    %mul3A_50 = vector.broadcast %rsqrt3A : vector<1x256xf32> to vector<10000x256xf32>
    %mul3A_51 = arith.mulf %mul3A_46, %mul3A_50 : vector<10000x256xf32>
    %get3A_52 = arith.constant 0 : index
    %get3A_53 = arith.constant 0 : index
    %get3A_54 = vector.load %arg6[%get3A_52, %get3A_53] : memref<1x256xf32, #tpu.memory_space<vmem>>, vector<1x256xf32>
    %add3A_55 = vector.broadcast %get3A_54 : vector<1x256xf32> to vector<10000x256xf32>
    %add3A_56 = arith.addf %mul3A_51, %add3A_55 : vector<10000x256xf32>
    %max3A_57 = arith.constant 0.000000e+00 : f32
    %max3A_58 = vector.broadcast %max3A_57 : f32 to vector<10000x256xf32>
    %max3A_59 = arith.maximumf %add3A_56, %max3A_58 : vector<10000x256xf32>
    %slice3A = vector.extract_strided_slice %max3A_59 {offsets = [0, 0], sizes = [10000, 128], strides = [1, 1]} : vector<10000x256xf32> to vector<10000x128xf32>
    %swap3A = arith.constant 0 : index
    %swap3A_60 = arith.constant 0 : index
    %swap3A_61 = vector.load %arg7[%swap3A, %swap3A_60] : memref<10000x128xf32, #tpu.memory_space<vmem>>, vector<10000x128xf32>
    tpu.vector_store %arg7[%swap3A, %swap3A_60], %slice3A {strides = array<i32>} : memref<10000x128xf32, #tpu.memory_space<vmem>>, vector<10000x128xf32>,
    %slice3A_62 = vector.extract_strided_slice %max3A_59 {offsets = [0, 128], sizes = [10000, 128], strides = [1, 1]} : vector<10000x256xf32> to vector<10000x128xf32>
    %swap3A_63 = arith.constant 0 : index
    %swap3A_64 = arith.constant 0 : index
    %swap3A_65 = vector.load %arg8[%swap3A_63, %swap3A_64] : memref<10000x128xf32, #tpu.memory_space<vmem>>, vector<10000x128xf32>
    tpu.vector_store %arg8[%swap3A_63, %swap3A_64], %slice3A_62 {strides = array<i32>} : memref<10000x128xf32, #tpu.memory_space<vmem>>, vector<10000x128xf32>,
    %swap3A_66 = arith.constant 0 : index
    %swap3A_67 = arith.constant 0 : index
    %swap3A_68 = vector.load %arg9[%swap3A_66, %swap3A_67] : memref<10000x1xf32, #tpu.memory_space<vmem>>, vector<10000x1xf32>
    tpu.vector_store %arg9[%swap3A_66, %swap3A_67], %div3A_5 {strides = array<i32>} : memref<10000x1xf32, #tpu.memory_space<vmem>>, vector<10000x1xf32>,
    return
  }
}

module attributes {stable_mosaic.version = 14 : i64} {
  func.func @body(%arg0: memref<10000x128xf32, #tpu.memory_space<vmem>>, %arg1: memref<10000x128xf32, #tpu.memory_space<vmem>>, %arg2: memref<20480x128xf32, #tpu.memory_space<vmem>>, %arg3: memref<10000x1xf32, #tpu.memory_space<vmem>>, %arg4: memref<256x256xf32, #tpu.memory_space<vmem>>, %arg5: memref<1x256xf32, #tpu.memory_space<vmem>>, %arg6: memref<256x256xf32, #tpu.memory_space<vmem>>, %arg7: memref<1x256xf32, #tpu.memory_space<vmem>>, %arg8: memref<1x256xf32, #tpu.memory_space<vmem>>, %arg9: memref<1x256xf32, #tpu.memory_space<vmem>>, %arg10: memref<1x256xf32, #tpu.memory_space<vmem>>, %arg11: memref<10000x16xf32, #tpu.memory_space<vmem>>, %arg12: memref<10000x1xf32, #tpu.memory_space<vmem>>) attributes {dimension_semantics = [], scalar_prefetch = 0 : i64, scratch_operands = 0 : i64, tpu.core_type = #tpu.core_type<tc>} {
    %get3A = arith.constant 0 : index
    %get3A_0 = arith.constant 0 : index
    %get3A_1 = vector.load %arg3[%get3A, %get3A_0] : memref<10000x1xf32, #tpu.memory_space<vmem>>, vector<10000x1xf32>
    %get3A_2 = arith.constant 0 : index
    %get3A_3 = arith.constant 0 : index
    %get3A_4 = vector.load %arg2[%get3A_2, %get3A_3] : memref<20480x128xf32, #tpu.memory_space<vmem>>, vector<10000x128xf32>
    %get3A_5 = arith.constant 10240 : index
    %get3A_6 = arith.constant 0 : index
    %get3A_7 = vector.load %arg2[%get3A_5, %get3A_6] : memref<20480x128xf32, #tpu.memory_space<vmem>>, vector<10000x128xf32>
    %concatenate3A = tpu.concatenate %get3A_4, %get3A_7 in 1 : vector<10000x128xf32>, vector<10000x128xf32> -> vector<10000x256xf32>
    %mul3A = vector.broadcast %get3A_1 : vector<10000x1xf32> to vector<10000x256xf32>
    %mul3A_8 = arith.mulf %concatenate3A, %mul3A : vector<10000x256xf32>
    %get3A_9 = arith.constant 0 : index
    %get3A_10 = arith.constant 0 : index
    %get3A_11 = vector.load %arg0[%get3A_9, %get3A_10] : memref<10000x128xf32, #tpu.memory_space<vmem>>, vector<10000x128xf32>
    %get3A_12 = arith.constant 0 : index
    %get3A_13 = arith.constant 0 : index
    %get3A_14 = vector.load %arg1[%get3A_12, %get3A_13] : memref<10000x128xf32, #tpu.memory_space<vmem>>, vector<10000x128xf32>
    %concatenate3A_15 = tpu.concatenate %get3A_11, %get3A_14 in 1 : vector<10000x128xf32>, vector<10000x128xf32> -> vector<10000x256xf32>
    %get3A_16 = arith.constant 0 : index
    %get3A_17 = arith.constant 0 : index
    %get3A_18 = vector.load %arg4[%get3A_16, %get3A_17] : memref<256x256xf32, #tpu.memory_space<vmem>>, vector<256x256xf32>
    %dot_general3A = arith.constant dense<0.000000e+00> : vector<10000x256xf32>
    %dot_general3A_19 = tpu.matmul %mul3A_8, %get3A_18, %dot_general3A {dimension_numbers = #tpu.dot_dimension_numbers<[1], [1], [0], [0], [0, 0, 1, 0], [], []>, transpose_lhs_hint = false} : vector<10000x256xf32>, vector<256x256xf32>, vector<10000x256xf32> -> vector<10000x256xf32>
    %get3A_20 = arith.constant 0 : index
    %get3A_21 = arith.constant 0 : index
    %get3A_22 = vector.load %arg5[%get3A_20, %get3A_21] : memref<1x256xf32, #tpu.memory_space<vmem>>, vector<1x256xf32>
    %add3A = vector.broadcast %get3A_22 : vector<1x256xf32> to vector<10000x256xf32>
    %add3A_23 = arith.addf %dot_general3A_19, %add3A : vector<10000x256xf32>
    %get3A_24 = arith.constant 0 : index
    %get3A_25 = arith.constant 0 : index
    %get3A_26 = vector.load %arg6[%get3A_24, %get3A_25] : memref<256x256xf32, #tpu.memory_space<vmem>>, vector<256x256xf32>
    %dot_general3A_27 = arith.constant dense<0.000000e+00> : vector<10000x256xf32>
    %dot_general3A_28 = tpu.matmul %concatenate3A_15, %get3A_26, %dot_general3A_27 {dimension_numbers = #tpu.dot_dimension_numbers<[1], [1], [0], [0], [0, 0, 1, 0], [], []>, transpose_lhs_hint = false} : vector<10000x256xf32>, vector<256x256xf32>, vector<10000x256xf32> -> vector<10000x256xf32>
    %add3A_29 = arith.addf %add3A_23, %dot_general3A_28 : vector<10000x256xf32>
    %reduce_sum3A = arith.constant dense<0.000000e+00> : vector<256xf32>
    %reduce_sum3A_30 = vector.multi_reduction <add>, %add3A_29, %reduce_sum3A [0] : vector<10000x256xf32> to vector<256xf32>
    %broadcast_in_dim3A = vector.shape_cast %reduce_sum3A_30 : vector<256xf32> to vector<1x256xf32>
    %div3A = arith.constant 1.000000e+04 : f32
    %div3A_31 = vector.broadcast %div3A : f32 to vector<1x256xf32>
    %div3A_32 = arith.divf %broadcast_in_dim3A, %div3A_31 : vector<1x256xf32>
    %sub3A = vector.broadcast %div3A_32 : vector<1x256xf32> to vector<10000x256xf32>
    %sub3A_33 = arith.subf %add3A_29, %sub3A : vector<10000x256xf32>
    %mul3A_34 = arith.mulf %sub3A_33, %sub3A_33 : vector<10000x256xf32>
    %reduce_sum3A_35 = arith.constant dense<0.000000e+00> : vector<256xf32>
    %reduce_sum3A_36 = vector.multi_reduction <add>, %mul3A_34, %reduce_sum3A_35 [0] : vector<10000x256xf32> to vector<256xf32>
    %broadcast_in_dim3A_37 = vector.shape_cast %reduce_sum3A_36 : vector<256xf32> to vector<1x256xf32>
    %div3A_38 = arith.constant 1.000000e+04 : f32
    %div3A_39 = vector.broadcast %div3A_38 : f32 to vector<1x256xf32>
    %div3A_40 = arith.divf %broadcast_in_dim3A_37, %div3A_39 : vector<1x256xf32>
    %get3A_41 = arith.constant 0 : index
    %get3A_42 = arith.constant 0 : index
    %get3A_43 = vector.load %arg7[%get3A_41, %get3A_42] : memref<1x256xf32, #tpu.memory_space<vmem>>, vector<1x256xf32>
    %mul3A_44 = vector.broadcast %get3A_43 : vector<1x256xf32> to vector<10000x256xf32>
    %mul3A_45 = arith.mulf %mul3A_44, %sub3A_33 : vector<10000x256xf32>
    %add3A_46 = arith.constant 9.99999974E-6 : f32
    %add3A_47 = vector.broadcast %add3A_46 : f32 to vector<1x256xf32>
    %add3A_48 = arith.addf %div3A_40, %add3A_47 : vector<1x256xf32>
    %rsqrt3A = math.rsqrt %add3A_48 : vector<1x256xf32>
    %mul3A_49 = vector.broadcast %rsqrt3A : vector<1x256xf32> to vector<10000x256xf32>
    %mul3A_50 = arith.mulf %mul3A_45, %mul3A_49 : vector<10000x256xf32>
    %get3A_51 = arith.constant 0 : index
    %get3A_52 = arith.constant 0 : index
    %get3A_53 = vector.load %arg8[%get3A_51, %get3A_52] : memref<1x256xf32, #tpu.memory_space<vmem>>, vector<1x256xf32>
    %add3A_54 = vector.broadcast %get3A_53 : vector<1x256xf32> to vector<10000x256xf32>
    %add3A_55 = arith.addf %mul3A_50, %add3A_54 : vector<10000x256xf32>
    %max3A = arith.constant 0.000000e+00 : f32
    %max3A_56 = vector.broadcast %max3A : f32 to vector<10000x256xf32>
    %max3A_57 = arith.maximumf %add3A_55, %max3A_56 : vector<10000x256xf32>
    %get3A_58 = arith.constant 0 : index
    %get3A_59 = arith.constant 0 : index
    %get3A_60 = vector.load %arg9[%get3A_58, %get3A_59] : memref<1x256xf32, #tpu.memory_space<vmem>>, vector<1x256xf32>
    %dot_general3A_61 = arith.constant dense<0.000000e+00> : vector<10000x1xf32>
    %dot_general3A_62 = tpu.matmul %max3A_57, %get3A_60, %dot_general3A_61 {dimension_numbers = #tpu.dot_dimension_numbers<[1], [1], [0], [0], [0, 0, 1, 0], [], []>, transpose_lhs_hint = false} : vector<10000x256xf32>, vector<1x256xf32>, vector<10000x1xf32> -> vector<10000x1xf32>
    %broadcast_in_dim3A_63 = vector.shape_cast %dot_general3A_62 : vector<10000x1xf32> to vector<10000x1xf32>
    %broadcast_in_dim3A_64 = vector.broadcast %broadcast_in_dim3A_63 : vector<10000x1xf32> to vector<10000x16xf32>
    %swap3A = arith.constant 0 : index
    %swap3A_65 = arith.constant 0 : index
    %swap3A_66 = vector.load %arg11[%swap3A, %swap3A_65] : memref<10000x16xf32, #tpu.memory_space<vmem>>, vector<10000x16xf32>
    tpu.vector_store %arg11[%swap3A, %swap3A_65], %broadcast_in_dim3A_64 {strides = array<i32>} : memref<10000x16xf32, #tpu.memory_space<vmem>>, vector<10000x16xf32>,
    %get3A_67 = arith.constant 0 : index
    %get3A_68 = arith.constant 0 : index
    %get3A_69 = vector.load %arg10[%get3A_67, %get3A_68] : memref<1x256xf32, #tpu.memory_space<vmem>>, vector<1x256xf32>
    %dot_general3A_70 = arith.constant dense<0.000000e+00> : vector<10000x1xf32>
    %dot_general3A_71 = tpu.matmul %max3A_57, %get3A_69, %dot_general3A_70 {dimension_numbers = #tpu.dot_dimension_numbers<[1], [1], [0], [0], [0, 0, 1, 0], [], []>, transpose_lhs_hint = false} : vector<10000x256xf32>, vector<1x256xf32>, vector<10000x1xf32> -> vector<10000x1xf32>
    %swap3A_72 = arith.constant 0 : index
    %swap3A_73 = arith.constant 0 : index
    %swap3A_74 = vector.load %arg12[%swap3A_72, %swap3A_73] : memref<10000x1xf32, #tpu.memory_space<vmem>>, vector<10000x1xf32>
    tpu.vector_store %arg12[%swap3A_72, %swap3A_73], %dot_general3A_71 {strides = array<i32>} : memref<10000x1xf32, #tpu.memory_space<vmem>>, vector<10000x1xf32>,
    return
  }
}

module attributes {stable_mosaic.version = 14 : i64} {
  func.func @body(%arg0: memref<20480x16xf32, #tpu.memory_space<vmem>>, %arg1: memref<10000x1xf32, #tpu.memory_space<vmem>>, %arg2: memref<10000x1xf32, #tpu.memory_space<vmem>>, %arg3: memref<1x1xf32, #tpu.memory_space<vmem>>, %arg4: memref<10000x1xf32, #tpu.memory_space<vmem>>) attributes {dimension_semantics = [], scalar_prefetch = 0 : i64, scratch_operands = 0 : i64, tpu.core_type = #tpu.core_type<tc>} {
    %get3A = arith.constant 0 : index
    %get3A_0 = arith.constant 0 : index
    %get3A_1 = vector.load %arg0[%get3A, %get3A_0] : memref<20480x16xf32, #tpu.memory_space<vmem>>, vector<10000x1xf32>
    %get3A_2 = arith.constant 10240 : index
    %get3A_3 = arith.constant 0 : index
    %get3A_4 = vector.load %arg0[%get3A_2, %get3A_3] : memref<20480x16xf32, #tpu.memory_space<vmem>>, vector<10000x1xf32>
    %add3A = arith.addf %get3A_1, %get3A_4 : vector<10000x1xf32>
    %get3A_5 = arith.constant 0 : index
    %get3A_6 = arith.constant 0 : index
    %get3A_7 = vector.load %arg1[%get3A_5, %get3A_6] : memref<10000x1xf32, #tpu.memory_space<vmem>>, vector<10000x1xf32>
    %mul3A = arith.mulf %add3A, %get3A_7 : vector<10000x1xf32>
    %get3A_8 = arith.constant 0 : index
    %get3A_9 = arith.constant 0 : index
    %get3A_10 = vector.load %arg3[%get3A_8, %get3A_9] : memref<1x1xf32, #tpu.memory_space<vmem>>, vector<1x1xf32>
    %add3A_11 = vector.broadcast %get3A_10 : vector<1x1xf32> to vector<10000x1xf32>
    %add3A_12 = arith.addf %mul3A, %add3A_11 : vector<10000x1xf32>
    %get3A_13 = arith.constant 0 : index
    %get3A_14 = arith.constant 0 : index
    %get3A_15 = vector.load %arg2[%get3A_13, %get3A_14] : memref<10000x1xf32, #tpu.memory_space<vmem>>, vector<10000x1xf32>
    %add3A_16 = arith.addf %add3A_12, %get3A_15 : vector<10000x1xf32>
    %swap3A = arith.constant 0 : index
    %swap3A_17 = arith.constant 0 : index
    %swap3A_18 = vector.load %arg4[%swap3A, %swap3A_17] : memref<10000x1xf32, #tpu.memory_space<vmem>>, vector<10000x1xf32>
    tpu.vector_store %arg4[%swap3A, %swap3A_17], %add3A_16 {strides = array<i32>} : memref<10000x1xf32, #tpu.memory_space<vmem>>, vector<10000x1xf32>,
    return
  }
}

</mosaic_0001>

<sc_bundles>
// kernel: kernel.11.cloned.1.call-start
scs
__scs_entry_jumppad:
0x0: {  	(pc) =	sbr.rel $0x88, $3  }
0x1: {  	(tag) =	ssettag $0x0;
	lr =	simm.s32 $0x1  }
0x2: {  	[smem:$0x3F92] =	sst lr;
	_ =	strace $0xD0000000  }
0x3: {  	_ = 	snop  }
0x4: {  	_ = 	snop  }
0x5: {  	_ = 	snop  }
0x6: {  	_ = 	snop  }
0x7: {  	_ = 	snop  }
__scs_overlays_trampoline_lowered:
0x8: {  	[smem:$0x3FA1] =	sst s0  }
0x9: {  	[smem:$0x3FA2] =	sst s1  }
0xa: {  	[smem:$0x3FA3] =	sst s2  }
0xb: {  	[smem:$0x3FA4] =	sst s3  }
0xc: {  	[smem:$0x3FA5] =	sst s4  }
0xd: {  	[smem:$0x3FA6] =	sst s5  }
0xe: {  	[smem:$0x3FA7] =	sst s6  }
0xf: {  	[smem:$0x3FA8] =	sst s7  }
0x10: {  	[smem:$0x3FA9] =	sst s8  }
0x11: {  	[smem:$0x3FAA] =	sst s9;
	s0 =	simm.s32 @!p0 $0x0  }
0x12: {  	s1 =	sld [smem:$0x3F90];
	s0 =	simm.s32 @p0 $0x1  }
0x13: {  	[smem:$0x3FAB] =	sst s0;
	s0 =	simm.s32 @!p1 $0x0  }
0x14: {  	s2 =	sld [smem:$0x3F8F];
	s0 =	simm.s32 @p1 $0x1  }
0x15: {  	[smem:$0x3FAC] =	sst s0;
	s0 =	simm.s32 @!p2 $0x0  }
0x16: {  	s3 =	sld [smem:$0x3FDB];
	s0 =	simm.s32 @p2 $0x1  }
0x17: {  	s4 =	simm.s32 $0x1BF5;
	[smem:$0x3FAE] =	sst s0  }
0x18: {  	s0 =	sld [smem:$0x3F91];
	_ =	swait.ge [sflag:s4], $0x0  }
0x19: {  	s7 =	sld [smem:$0x3F92]  }
0x1a: {  	s8 =	sadd.s32 $0xFFFFE003, lr  }
0x1b: {  	s9 =	sadd.s32 $0xFFFFFEF7, lr;
	s5 =	simm.s32 $0xFFFFFFFF;
	p2 =	slt.u32 s8, $0xFFFFF086  }
0x1c: {  	p1 =	slt.u32 s9, $0xF7A;
	s5 =	simm.s32 @!p2 $0x0  }
0x1d: {  	s5 =	simm.s32 @p1 $0x1;
	p0 =	seq.s32 s7, s2  }
0x1e: {  	s7 =	smul.u32 @!p0 $0xF7A, s2;
	p2 =	seq.s32 @!p0 s5, $0x0  }
0x1f: {  	s9 =	smul.u32 $0xF7A, s1;
	s8 =	simm.s32 @!p0 $0x1BF5;
	p2 =	por !p2, p0  }
0x20: {  	[sflag:s8] =	ssyncset.s32 @!p0 $0xFFFFF086;
	s6 =	sadd.s32 @!p0 s3, s7;
	s7 =	simm.s32 @!p0 $0x108  }
0x21: {  	s3 =	sadd.s32 s3, s9;
	s6 =	sadd.s32 @!p0 $0x88, s6;
	s7 =	simm.s32 @p2 $0x1082  }
0x22: {  	[simem:s7], [sflag:s8] =	dma.local @!p0 [hbm:s6], $0xF7A  }
0x23: {  	s9 =	sor.u32 $0xD0000000, s2;
	s6 =	simm.s32 $0x108;
	_ =	swait.ge @!p0 [sflag:s8], $0x0  }
0x24: {  	s3 =	sadd.s32 $0x88, s3;
	s6 =	simm.s32 @!p1 $0x1082;
	[sflag:s4] =	ssyncset.s32 $0xFFFFF086  }
0x25: {  	[simem:s6], [sflag:s4] =	dma.local [hbm:s3], $0xF7A  }
0x26: {  	[smem:$0x3F92] =	sst s1;
	(tag) =	ssettag s2;
	_ =	strace s9  }
0x27: {  	s1 =	sld [smem:$0x3FA2]  }
0x28: {  	s2 =	sld [smem:$0x3FA3]  }
0x29: {  	s4 =	sld [smem:$0x3FA5]  }
0x2a: {  	p0 =	seq.s32 s5, $0x0;
	s5 =	sld [smem:$0x3FA6]  }
0x2b: {  	s6 =	sld [smem:$0x3FA7]  }
0x2c: {  	s7 =	sld [smem:$0x3FA8]  }
0x2d: {  	s3 =	simm.s32 $0x108;
	s8 =	sld [smem:$0x3FA9]  }
0x2e: {  	s3 =	simm.s32 @!p0 $0x1082;
	s9 =	sld [smem:$0x3FAA]  }
0x2f: {  	lr =	sadd.s32 s0, s3;
	s0 =	sld [smem:$0x3FA1]  }
0x30: {  	s3 =	sld [smem:$0x3FA4]  }
0x31: {  	[smem:$0x3FAD] =	sst s10  }
0x32: {  	s10 =	sld [smem:$0x3FAB];
	_ =	sdelay $0x3  }
0x33: {  	p0 =	seq.s32 s10, $0x1;
	s10 =	sld [smem:$0x3FAD];
	_ =	sdelay $0x3  }
0x34: {  	[smem:$0x3FAD] =	sst s10  }
0x35: {  	s10 =	sld [smem:$0x3FAC];
	_ =	sdelay $0x3  }
0x36: {  	p1 =	seq.s32 s10, $0x1;
	s10 =	sld [smem:$0x3FAD];
	_ =	sdelay $0x3  }
0x37: {  	[smem:$0x3FAD] =	sst s10  }
0x38: {  	s10 =	sld [smem:$0x3FAE]  }
0x39: {  	_ = 	snop;
	(pc) =	sbr.ind lr, $3  }
0x3a: {  	_ = 	snop  }
0x3b: {  	_ = 	snop  }
0x3c: {  	p2 =	seq.s32 s10, $0x1;
	s10 =	sld [smem:$0x3FAD]  }
0x3d: {  	_ =	shalt  }
0x3e: {  	_ =	shalt  }
0x3f: {  	_ =	shalt  }
0x40: {  	_ =	shalt  }
0x41: {  	_ =	shalt  }
0x42: {  	_ =	shalt  }
0x43: {  	_ =	shalt  }
0x44: {  	_ =	shalt  }
0x45: {  	_ =	shalt  }
0x46: {  	_ =	shalt  }
0x47: {  	_ =	shalt  }
0x48: {  	_ =	shalt  }
0x49: {  	_ =	shalt  }
0x4a: {  	_ =	shalt  }
0x4b: {  	_ =	shalt  }
0x4c: {  	_ =	shalt  }
0x4d: {  	_ =	shalt  }
0x4e: {  	_ =	shalt  }
0x4f: {  	_ =	shalt  }
0x50: {  	_ =	shalt  }
0x51: {  	_ =	shalt  }
0x52: {  	_ =	shalt  }
0x53: {  	_ =	shalt  }
0x54: {  	_ =	shalt  }
0x55: {  	_ =	shalt  }
0x56: {  	_ =	shalt  }
0x57: {  	_ =	shalt  }
0x58: {  	_ =	shalt  }
0x59: {  	_ =	shalt  }
0x5a: {  	_ =	shalt  }
0x5b: {  	_ =	shalt  }
0x5c: {  	_ =	shalt  }
0x5d: {  	_ =	shalt  }
0x5e: {  	_ =	shalt  }
0x5f: {  	_ =	shalt  }
0x60: {  	_ =	shalt  }
0x61: {  	_ =	shalt  }
0x62: {  	_ =	shalt  }
0x63: {  	_ =	shalt  }
0x64: {  	_ =	shalt  }
0x65: {  	_ =	shalt  }
0x66: {  	_ =	shalt  }
0x67: {  	_ =	shalt  }
0x68: {  	_ =	shalt  }
0x69: {  	_ =	shalt  }
0x6a: {  	_ =	shalt  }
0x6b: {  	_ =	shalt  }
0x6c: {  	_ =	shalt  }
0x6d: {  	_ =	shalt  }
0x6e: {  	_ =	shalt  }
0x6f: {  	_ =	shalt  }
0x70: {  	_ =	shalt  }
0x71: {  	_ =	shalt  }
0x72: {  	_ =	shalt  }
0x73: {  	_ =	shalt  }
0x74: {  	_ =	shalt  }
0x75: {  	_ =	shalt  }
0x76: {  	_ =	shalt  }
0x77: {  	_ =	shalt  }
0x78: {  	_ =	shalt  }
0x79: {  	_ =	shalt  }
0x7a: {  	_ =	shalt  }
0x7b: {  	_ =	shalt  }
0x7c: {  	_ =	shalt  }
0x7d: {  	_ =	shalt  }
0x7e: {  	_ =	shalt  }
0x7f: {  	_ =	shalt  }
0x80: {  	_ =	shalt  }
0x81: {  	_ =	shalt  }
0x82: {  	_ =	shalt  }
0x83: {  	_ =	shalt  }
0x84: {  	_ =	shalt  }
0x85: {  	_ =	shalt  }
0x86: {  	_ =	shalt  }
0x87: {  	_ =	shalt  }
.Lfunc_end0:
.L_simem_size_0:
called_computation.1_lowered:
.L_overlay_start_0:
0x88: {  	s2 =	sld [smem:$0x3FD9]  }
0x89: {  	s3 =	sld [smem:$0x3FFE];
	_ =	sdelay $0x1  }
0x8a: {  	s1 =	srdreg.scid  }
0x8b: {  	s0 =	sand.u32 $0x1, s1  }
0x8c: {  	s16 =	sshll.u32 s0, $0xA;
	s2 =	sadd.s32 s3, s2  }
0x8d: {  	s2 =	sadd.s32 s2, s16  }
0x8e: {  	[smem:$0x3FB9] =	sst s2  }
0x8f: {  	_ = 	snop  }
0x90: {  	(tm) =	ssettm $0x1  }
0x91: {  	s17 =	sld [smem:$0x3FFB];
	_ =	sdelay $0x3  }
0x92: {  	_ =	strace s17  }
0x93: {  	s2 =	sld [smem:$0x3FFC];
	_ =	sdelay $0x3  }
0x94: {  	_ =	strace s2  }
0x95: {  	s2 =	sld [smem:$0x3FFD];
	_ =	sdelay $0x3  }
0x96: {  	_ =	strace s2  }
0x97: {  	_ =	strace $0x8FFFFFFF  }
0x98: {  	s18 =	sld [smem:$0x3FDB];
	_ =	sdelay $0x1  }
0x99: {  	s19 =	simm.s32 $_scs_section_size  }
0x9a: {  	s4 =	simm.s32 $_size__tile_overlayer_lowered;
	s5 =	simm.s32 $_tile_overlayer_lowered  }
0x9b: {  	s22 =	simm.s32 $0x1BFF;
	s21 =	sshll.u32 s5, $0x1;
	s2 =	sadd.s32 s19, s18  }
0x9c: {  	s6 =	simm.s32 $0x0;
	s20 =	sshll.u32 s4, $0x1;
	s4 =	sadd.s32 s21, s2  }
0x9d: {  	[timem:s6], [sflag:s22] =	dma.local [hbm:s4], s20  }
0x9e: {  	_ =	swait.ge [sflag:s22], s20  }
0x9f: {  	s3 =	ssub.s32 $0x0, s20;
	[sflag:s22] =	ssyncset.done $0x0  }
0xa0: {  	[sflag:s22] =	ssyncadd.s32 s3;
	_ =	sdelay $0x1  }
0xa1: {  	s23 =	simm.s32 $0x1B8B  }
0xa2: {  	_ =	swait.ge [sflag:s23], $0x1  }
0xa3: {  	[sflag:s23] =	ssyncset.done $0x0  }
0xa4: {  	s25 =	simm.s32 $0x1B8E;
	s24 =	sld [smem:$0x3FFE];
	[sflag:s23] =	ssyncadd.s32 $0xFFFFFFFF  }
0xa5: {  	s26 =	simm.s32 $execute0_lowered;
	[smem:$0x3FD2] =	sst s25  }
0xa6: {  	s4 =	sshll.u32 s26, $0x1;
	_ =	strace $0x80000049;
	[dreg:$0x1] =	wrdreg $0xFFFFFFFF  }
0xa7: {  	s28 =	simm.s32 $_size_execute0_lowered;
	s2 =	sadd.s32 s2, s4;
	[dreg:$0x0] =	wrdreg $0x0  }
0xa8: {  	s4 =	sshll.u32 s28, $0x1;
	[dreg:$0x2] =	wrdreg s2  }
0xa9: {  	[dreg:$0x3] =	wrdreg s4  }
0xaa: {  	[dreg:$0x4] =	wrdreg $0xC0  }
0xab: {  	_ =	task [dreg:s6], $0x5FFFF  }
0xac: {  	[dreg:$0x1] =	wrdreg $0xFFFFFFFF  }
0xad: {  	[dreg:$0x0] =	wrdreg $0x60  }
0xae: {  	[dreg:$0x2] =	wrdreg s24  }
0xaf: {  	[dreg:$0x3] =	wrdreg $0x28A00  }
0xb0: {  	[dreg:$0x4] =	wrdreg $0x9  }
0xb1: {  	_ =	task.clear_ibuf [dreg:s6], $0x5FFFF;
	_ =	strace $0x90000049  }
0xb2: {  	s29 =	simm.s32 $0x9;
	_ =	strace $0x8000004B  }
0xb3: {  	_ =	swait.ge [sflag:s29], $0x1  }
0xb4: {  	[sflag:s29] =	ssyncadd.s32 $0xFFFFFFFF  }
0xb5: {  	_ =	strace $0x9000004B  }
0xb6: {  	_ =	sfence  }
0xb7: {  	s30 =	sld [smem:$0x0];
	_ =	sdelay $0x2  }
0xb8: {  	s31 =	sshll.u32 s1, $0xD;
	s1 =	sshrl.u32 s1, $0x2  }
0xb9: {  	s3 =	sand.u32 $0x4000, s31;
	s1 =	sadd.s32 s1, s30  }
0xba: {  	s0 =	sor.u32 s3, s0;
	s1 =	sshll.u32 s1, $0x11  }
0xbb: {  	s0 =	sor.u32 s1, s0  }
0xbc: {  	s0 =	sadd.s32 $0x8F2B, s0  }
0xbd: {  	[sflag:s0] =	ssyncadd.remote.s32 $0x1  }
0xbe: {  	_ =	sfence.sel $0xFFFF  }
0xbf: {  	[dreg:$0x0] =	wrdreg $0xFFFFFFFF;
	(pc) =	sbr.abs _section_cstart, $3  }
0xc0: {  	[dreg:$0x1] =	wrdreg $0xFFFFFFFF  }
0xc1: {  	_ =	task.clear_ibuf [dreg:s6], $0x2FFFF;
	_ =	strace $0x9FFFFFFF  }
0xc2: {  	(tm) =	ssettm $0x7FFFFFFF  }
0xc3: {  	_ =	shalt  }
tec
execute0_lowered:
.L_overlay_start_1:
0x0: {  	(tag) =	ssettag $0x1  }
0x1: {  	s5 =	rddreg [dreg:$0x0]  }
0x2: {  	s2 =	rddreg [dreg:$0x1]  }
0x3: {  	s1 =	stileid.u32;
	s0 =	rddreg [dreg:$0x2]  }
0x4: {  	s3 =	simm.s32 $0x0;
	s4 =	srdreg.scid;
	s6 =	smul.u32 $0x9C4, s1  }
0x5: {  	s15 =	simm.s32 $0x1;
	s16 =	simm.s32 $0x0;
	s7 =	smul.u32 $0x14000, s1  }
0x6: {  	[smem:$0x7FF] =	sst s3;
	s8 =	sand.u32 $0x1, s4;
	s9 =	smul.u32 $0x2800, s1  }
0x7: {  	s4 =	sadd.s32 $0x3DC00, s5;
	s31 =	sshll.u32 s1, $0x6;
	s10 =	smul.u32 $0x28000, s8  }
0x8: {  	_ =	strace $0x8000004A;
	s29 =	ssub.s32 $0x2, s8;
	s14 =	smul.u32 $0x2710, s8  }
0x9: {  	s11 =	sadd.s32 s6, s5;
	s12 =	sshrl.u32 s7, $0x3;
	s30 =	sshrl.u32 s29, $0x1  }
0xa: {  	s13 =	sadd.s32 s7, s2;
	s6 =	sor.u32 $0x1C02, s31;
	s9 =	sadd.s32 s9, s10  }
0xb: {  	s12 =	sadd.s32 s12, s5;
	s10 =	ssub.s32 s29, s30;
	v0 =	vmov s14;
	s14 =	simm.s32 $0xA0  }
0xc: {  	s9 =	sadd.s32 s9, s5;
	s5 =	sadd.s32 $0x8BE00, s12;
	s8 =	smax.u32 s10, $0x1  }
0xd: {  	s10 =	sadd.s32 $0xCC00, s11;
	s12 =	simm.s32 $0x2;
	s7 =	sadd.s32 $0xB3E00, s9  }
0xe: {  	s9 =	sadd.s32 $0x2E00, s11;
	s11 =	sshrl.u32 s13, $0x3;
	s13 =	simm.s32 $0x50  }
.LBB2_1:
0xf: {  	[spmem:s11], [sflag:s6] =	dma.local [hbm:s5], $0x2800  }
0x10: {  	_ =	swait.ge [sflag:s12], $0x2800  }
0x11: {  	[sflag:s12] =	ssyncset.done $0x0  }
0x12: {  	[sflag:s12] =	ssyncadd.s32 $0xFFFFD800  }
0x13: {  	s17 =	sadd.s32 $0x0, s10;
	[bflag:$0x0] =	sbarrier.arrive $0xFFFF  }
0x14: {  	[tilespmem:s3], [sflag:$0x2] =	stream.linear.gather [hbm4b:s17+s3], $0x50, $0x38;
	[tilespmem:$0x168A0] =	vst v63  }
0x15: {  	_ =	swait.ge [sflag:s12], $0x50  }
0x16: {  	[sflag:s12] =	ssyncset.done $0x0  }
0x17: {  	s31 =	sadd.s32 $0x0, s9;
	[sflag:s12] =	ssyncadd.s32 $0xFFFFFFB0  }
0x18: {  	[tilespmem:s13], [sflag:$0x2] =	stream.linear.gather [hbm4b:s31+s3], $0x50, $0x38;
	[tilespmem:$0x168A0] =	vst v63  }
0x19: {  	_ =	swait.ge [sflag:s12], $0x50  }
0x1a: {  	[sflag:s12] =	ssyncset.done $0x0  }
0x1b: {  	[sflag:s12] =	ssyncadd.s32 $0xFFFFFFB0  }
0x1c: {  	v1 =	vld [tilespmem:$0x40]  }
0x1d: {  	v2 =	vld [tilespmem:$0x20]  }
0x1e: {  	v3 =	vld [tilespmem:$0x30]  }
0x1f: {  	v4 =	vld [tilespmem:$0x10]  }
0x20: {  	v5 =	vld [tilespmem:$0x0]  }
0x21: {  	v1 =	vadd.s32 v0, v1  }
0x22: {  	v2 =	vadd.s32 v0, v2;
	[tilespmem:$0x40] =	vst v1  }
0x23: {  	[tilespmem:$0x20] =	vst v2;
	v1 =	vadd.s32 v0, v3  }
0x24: {  	v2 =	vadd.s32 v0, v4;
	[tilespmem:$0x30] =	vst v1  }
0x25: {  	v1 =	vadd.s32 v0, v5;
	[tilespmem:$0x10] =	vst v2  }
0x26: {  	[tilespmem:$0x0] =	vst v1  }
0x27: {  	[tilespmem:s14], [sflag:$0x1] =	stream.indirect.gather [hbm4b:s4+s13], $0x80, s3, s13, $0xb8;
	[tilespmem:$0x168A0] =	vst v63  }
0x28: {  	_ =	swait.ge [sflag:s15], $0x2800  }
0x29: {  	s17 =	simm.s32 $0xA;
	[sflag:s15] =	ssyncset.done $0x0  }
.LBB2_2:
0x2a: {  	p0 =	sne.s32 s17, $0x9BA  }
0x2b: {  	[sflag:s15] =	ssyncadd.s32 $0xFFFFD800;
	s18 =	smov.u32 s17;
	s17 =	sadd.s32 $0xA, s17  }
0x2c: {  	[spmem:s2] =	stream.indirect.scatter.add.f32 [tilespmem:s14], [sflag:$0x2], $0x80, s13, s13, $0xb8;
	[tilespmem:$0x168A0] =	vst v63  }
0x2d: {  	_ =	swait.ge [sflag:s12], $0x2800  }
0x2e: {  	[sflag:s12] =	ssyncset.done $0x0  }
0x2f: {  	s19 =	sadd.s32 s18, s10;
	[sflag:s12] =	ssyncadd.s32 $0xFFFFD800  }
0x30: {  	[tilespmem:s3], [sflag:$0x2] =	stream.linear.gather [hbm4b:s19+s3], $0x50, $0x38;
	[tilespmem:$0x168A0] =	vst v63  }
0x31: {  	_ =	swait.ge [sflag:s12], $0x50  }
0x32: {  	[sflag:s12] =	ssyncset.done $0x0  }
0x33: {  	s18 =	sadd.s32 s18, s9;
	[sflag:s12] =	ssyncadd.s32 $0xFFFFFFB0  }
0x34: {  	[tilespmem:s13], [sflag:$0x2] =	stream.linear.gather [hbm4b:s18+s3], $0x50, $0x38;
	[tilespmem:$0x168A0] =	vst v63  }
0x35: {  	_ =	swait.ge [sflag:s12], $0x50  }
0x36: {  	[sflag:s12] =	ssyncset.done $0x0  }
0x37: {  	[sflag:s12] =	ssyncadd.s32 $0xFFFFFFB0  }
0x38: {  	v1 =	vld [tilespmem:$0x40]  }
0x39: {  	v2 =	vld [tilespmem:$0x20]  }
0x3a: {  	v3 =	vld [tilespmem:$0x30]  }
0x3b: {  	v4 =	vld [tilespmem:$0x10]  }
0x3c: {  	v5 =	vld [tilespmem:$0x0]  }
0x3d: {  	v1 =	vadd.s32 v0, v1  }
0x3e: {  	v2 =	vadd.s32 v0, v2;
	[tilespmem:$0x40] =	vst v1  }
0x3f: {  	[tilespmem:$0x20] =	vst v2;
	v1 =	vadd.s32 v0, v3  }
0x40: {  	v2 =	vadd.s32 v0, v4;
	[tilespmem:$0x30] =	vst v1  }
.Ltmp0:
0x41: {  	v1 =	vadd.s32 v0, v5;
	[tilespmem:$0x10] =	vst v2;
	(pc) =	sbr.rel @p0 .LBB2_2-.Ltmp0, $4  }
0x42: {  	[tilespmem:$0x0] =	vst v1  }
0x43: {  	[tilespmem:s14], [sflag:$0x1] =	stream.indirect.gather [hbm4b:s4+s13], $0x80, s3, s13, $0xb8;
	[tilespmem:$0x168A0] =	vst v63  }
0x44: {  	_ =	swait.ge [sflag:s15], $0x2800  }
0x45: {  	[sflag:s15] =	ssyncset.done $0x0  }
0x46: {  	[sflag:s15] =	ssyncadd.s32 $0xFFFFD800  }
0x47: {  	[spmem:s2] =	stream.indirect.scatter.add.f32 [tilespmem:s14], [sflag:$0x2], $0x80, s13, s13, $0xb8;
	[tilespmem:$0x168A0] =	vst v63  }
0x48: {  	_ =	swait.ge [sflag:s12], $0x2800  }
0x49: {  	s16 =	sadd.s32 $0x1, s16;
	[sflag:s12] =	ssyncset.done $0x0  }
0x4a: {  	p0 =	sne.s32 s16, s8;
	[sflag:s12] =	ssyncadd.s32 $0xFFFFD800  }
.Ltmp1:
0x4b: {  	[bflag:$0x0] =	sbarrier.arrive $0xFFFF;
	(pc) =	sbr.rel @p0 .LBB2_1-.Ltmp1, $4  }
0x4c: {  	[hbm:s7], [sflag:s6] =	dma.local [spmem:s11], $0x2800  }
0x4d: {  	_ =	swait.ge [sflag:s12], $0x2800  }
0x4e: {  	[sflag:s12] =	ssyncset.done $0x0  }
0x4f: {  	[sflag:s12] =	ssyncadd.s32 $0xFFFFD800  }
0x50: {  	_ =	sfence.sel $0x180000  }
0x51: {  	[bflag:$0x0] =	sbarrier.arrive $0xFFFF  }
0x52: {  	p0 =	sne.s32 s1, $0x0;
	_ =	strace $0x9000004A  }
0x53: {  	s0 =	sadd.s32 @!p0 $0x100000, s0;
	[bflag:$0x2] =	sbarrier.arrive $0xFFFF  }
0x54: {  	[sflag:s0] =	ssyncadd.tile.s32 @!p0 $0x1;
	_ =	shalt  }
.Lfunc_end2:
_tile_overlayer_lowered:
.L_overlay_start_2:
0x55: {  	(tag) =	ssettag $0x2  }
0x56: {  	s0 =	rddreg [dreg:$0x0];
	s2 =	stileid.u32  }
0x57: {  	s1 =	rddreg [dreg:$0x1];
	p0 =	sne.s32 s2, $0x0  }
0x58: {  	s3 =	rddreg [dreg:$0x2];
	[bflag:$0x3] =	sbarrier.arrive $0xFFFF;
	s2 =	simm.s32 @!p0 $0x1C02  }
0x59: {  	[timem:s3], [sflag:s2] =	dma.local @!p0 [hbm:s0], s1  }
0x5a: {  	s0 =	simm.s32 @!p0 $0x2  }
0x5b: {  	_ =	swait.ge @!p0 [sflag:s0], s1  }
0x5c: {  	s1 =	ssub.s32 @!p0 $0x0, s1;
	[sflag:s0] =	ssyncset.done @!p0 $0x0  }
0x5d: {  	[sflag:s0] =	ssyncadd.s32 @!p0 s1  }
0x5e: {  	[bflag:$0x3] =	sbarrier.arrive $0xFFFF  }
0x5f: {  	_ =	shalt  }

// kernel: kernel.14.cloned.1.call-start
scs
__scs_entry_jumppad:
0x0: {  	(pc) =	sbr.rel $0x88, $3  }
0x1: {  	(tag) =	ssettag $0x0;
	lr =	simm.s32 $0x1  }
0x2: {  	[smem:$0x3F92] =	sst lr;
	_ =	strace $0xD0000000  }
0x3: {  	_ = 	snop  }
0x4: {  	_ = 	snop  }
0x5: {  	_ = 	snop  }
0x6: {  	_ = 	snop  }
0x7: {  	_ = 	snop  }
__scs_overlays_trampoline_lowered:
0x8: {  	[smem:$0x3FA1] =	sst s0  }
0x9: {  	[smem:$0x3FA2] =	sst s1  }
0xa: {  	[smem:$0x3FA3] =	sst s2  }
0xb: {  	[smem:$0x3FA4] =	sst s3  }
0xc: {  	[smem:$0x3FA5] =	sst s4  }
0xd: {  	[smem:$0x3FA6] =	sst s5  }
0xe: {  	[smem:$0x3FA7] =	sst s6  }
0xf: {  	[smem:$0x3FA8] =	sst s7  }
0x10: {  	[smem:$0x3FA9] =	sst s8  }
0x11: {  	[smem:$0x3FAA] =	sst s9;
	s0 =	simm.s32 @!p0 $0x0  }
0x12: {  	s1 =	sld [smem:$0x3F90];
	s0 =	simm.s32 @p0 $0x1  }
0x13: {  	[smem:$0x3FAB] =	sst s0;
	s0 =	simm.s32 @!p1 $0x0  }
0x14: {  	s2 =	sld [smem:$0x3F8F];
	s0 =	simm.s32 @p1 $0x1  }
0x15: {  	[smem:$0x3FAC] =	sst s0;
	s0 =	simm.s32 @!p2 $0x0  }
0x16: {  	s3 =	sld [smem:$0x3FDB];
	s0 =	simm.s32 @p2 $0x1  }
0x17: {  	s4 =	simm.s32 $0x1BF5;
	[smem:$0x3FAE] =	sst s0  }
0x18: {  	s0 =	sld [smem:$0x3F91];
	_ =	swait.ge [sflag:s4], $0x0  }
0x19: {  	s7 =	sld [smem:$0x3F92]  }
0x1a: {  	s8 =	sadd.s32 $0xFFFFE003, lr  }
0x1b: {  	s9 =	sadd.s32 $0xFFFFFEF7, lr;
	s5 =	simm.s32 $0xFFFFFFFF;
	p2 =	slt.u32 s8, $0xFFFFF086  }
0x1c: {  	p1 =	slt.u32 s9, $0xF7A;
	s5 =	simm.s32 @!p2 $0x0  }
0x1d: {  	s5 =	simm.s32 @p1 $0x1;
	p0 =	seq.s32 s7, s2  }
0x1e: {  	s7 =	smul.u32 @!p0 $0xF7A, s2;
	p2 =	seq.s32 @!p0 s5, $0x0  }
0x1f: {  	s9 =	smul.u32 $0xF7A, s1;
	s8 =	simm.s32 @!p0 $0x1BF5;
	p2 =	por !p2, p0  }
0x20: {  	[sflag:s8] =	ssyncset.s32 @!p0 $0xFFFFF086;
	s6 =	sadd.s32 @!p0 s3, s7;
	s7 =	simm.s32 @!p0 $0x108  }
0x21: {  	s3 =	sadd.s32 s3, s9;
	s6 =	sadd.s32 @!p0 $0x88, s6;
	s7 =	simm.s32 @p2 $0x1082  }
0x22: {  	[simem:s7], [sflag:s8] =	dma.local @!p0 [hbm:s6], $0xF7A  }
0x23: {  	s9 =	sor.u32 $0xD0000000, s2;
	s6 =	simm.s32 $0x108;
	_ =	swait.ge @!p0 [sflag:s8], $0x0  }
0x24: {  	s3 =	sadd.s32 $0x88, s3;
	s6 =	simm.s32 @!p1 $0x1082;
	[sflag:s4] =	ssyncset.s32 $0xFFFFF086  }
0x25: {  	[simem:s6], [sflag:s4] =	dma.local [hbm:s3], $0xF7A  }
0x26: {  	[smem:$0x3F92] =	sst s1;
	(tag) =	ssettag s2;
	_ =	strace s9  }
0x27: {  	s1 =	sld [smem:$0x3FA2]  }
0x28: {  	s2 =	sld [smem:$0x3FA3]  }
0x29: {  	s4 =	sld [smem:$0x3FA5]  }
0x2a: {  	p0 =	seq.s32 s5, $0x0;
	s5 =	sld [smem:$0x3FA6]  }
0x2b: {  	s6 =	sld [smem:$0x3FA7]  }
0x2c: {  	s7 =	sld [smem:$0x3FA8]  }
0x2d: {  	s3 =	simm.s32 $0x108;
	s8 =	sld [smem:$0x3FA9]  }
0x2e: {  	s3 =	simm.s32 @!p0 $0x1082;
	s9 =	sld [smem:$0x3FAA]  }
0x2f: {  	lr =	sadd.s32 s0, s3;
	s0 =	sld [smem:$0x3FA1]  }
0x30: {  	s3 =	sld [smem:$0x3FA4]  }
0x31: {  	[smem:$0x3FAD] =	sst s10  }
0x32: {  	s10 =	sld [smem:$0x3FAB];
	_ =	sdelay $0x3  }
0x33: {  	p0 =	seq.s32 s10, $0x1;
	s10 =	sld [smem:$0x3FAD];
	_ =	sdelay $0x3  }
0x34: {  	[smem:$0x3FAD] =	sst s10  }
0x35: {  	s10 =	sld [smem:$0x3FAC];
	_ =	sdelay $0x3  }
0x36: {  	p1 =	seq.s32 s10, $0x1;
	s10 =	sld [smem:$0x3FAD];
	_ =	sdelay $0x3  }
0x37: {  	[smem:$0x3FAD] =	sst s10  }
0x38: {  	s10 =	sld [smem:$0x3FAE]  }
0x39: {  	_ = 	snop;
	(pc) =	sbr.ind lr, $3  }
0x3a: {  	_ = 	snop  }
0x3b: {  	_ = 	snop  }
0x3c: {  	p2 =	seq.s32 s10, $0x1;
	s10 =	sld [smem:$0x3FAD]  }
0x3d: {  	_ =	shalt  }
0x3e: {  	_ =	shalt  }
0x3f: {  	_ =	shalt  }
0x40: {  	_ =	shalt  }
0x41: {  	_ =	shalt  }
0x42: {  	_ =	shalt  }
0x43: {  	_ =	shalt  }
0x44: {  	_ =	shalt  }
0x45: {  	_ =	shalt  }
0x46: {  	_ =	shalt  }
0x47: {  	_ =	shalt  }
0x48: {  	_ =	shalt  }
0x49: {  	_ =	shalt  }
0x4a: {  	_ =	shalt  }
0x4b: {  	_ =	shalt  }
0x4c: {  	_ =	shalt  }
0x4d: {  	_ =	shalt  }
0x4e: {  	_ =	shalt  }
0x4f: {  	_ =	shalt  }
0x50: {  	_ =	shalt  }
0x51: {  	_ =	shalt  }
0x52: {  	_ =	shalt  }
0x53: {  	_ =	shalt  }
0x54: {  	_ =	shalt  }
0x55: {  	_ =	shalt  }
0x56: {  	_ =	shalt  }
0x57: {  	_ =	shalt  }
0x58: {  	_ =	shalt  }
0x59: {  	_ =	shalt  }
0x5a: {  	_ =	shalt  }
0x5b: {  	_ =	shalt  }
0x5c: {  	_ =	shalt  }
0x5d: {  	_ =	shalt  }
0x5e: {  	_ =	shalt  }
0x5f: {  	_ =	shalt  }
0x60: {  	_ =	shalt  }
0x61: {  	_ =	shalt  }
0x62: {  	_ =	shalt  }
0x63: {  	_ =	shalt  }
0x64: {  	_ =	shalt  }
0x65: {  	_ =	shalt  }
0x66: {  	_ =	shalt  }
0x67: {  	_ =	shalt  }
0x68: {  	_ =	shalt  }
0x69: {  	_ =	shalt  }
0x6a: {  	_ =	shalt  }
0x6b: {  	_ =	shalt  }
0x6c: {  	_ =	shalt  }
0x6d: {  	_ =	shalt  }
0x6e: {  	_ =	shalt  }
0x6f: {  	_ =	shalt  }
0x70: {  	_ =	shalt  }
0x71: {  	_ =	shalt  }
0x72: {  	_ =	shalt  }
0x73: {  	_ =	shalt  }
0x74: {  	_ =	shalt  }
0x75: {  	_ =	shalt  }
0x76: {  	_ =	shalt  }
0x77: {  	_ =	shalt  }
0x78: {  	_ =	shalt  }
0x79: {  	_ =	shalt  }
0x7a: {  	_ =	shalt  }
0x7b: {  	_ =	shalt  }
0x7c: {  	_ =	shalt  }
0x7d: {  	_ =	shalt  }
0x7e: {  	_ =	shalt  }
0x7f: {  	_ =	shalt  }
0x80: {  	_ =	shalt  }
0x81: {  	_ =	shalt  }
0x82: {  	_ =	shalt  }
0x83: {  	_ =	shalt  }
0x84: {  	_ =	shalt  }
0x85: {  	_ =	shalt  }
0x86: {  	_ =	shalt  }
0x87: {  	_ =	shalt  }
.Lfunc_end0:
.L_simem_size_0:
called_computation.2_lowered:
.L_overlay_start_0:
0x88: {  	s2 =	sld [smem:$0x3FD9]  }
0x89: {  	s3 =	sld [smem:$0x3FFE];
	_ =	sdelay $0x1  }
0x8a: {  	s1 =	srdreg.scid  }
0x8b: {  	s0 =	sand.u32 $0x1, s1  }
0x8c: {  	s16 =	sshll.u32 s0, $0xA;
	s2 =	sadd.s32 s3, s2  }
0x8d: {  	s2 =	sadd.s32 s2, s16  }
0x8e: {  	[smem:$0x3FB9] =	sst s2  }
0x8f: {  	_ = 	snop  }
0x90: {  	(tm) =	ssettm $0x1  }
0x91: {  	s17 =	sld [smem:$0x3FFB];
	_ =	sdelay $0x3  }
0x92: {  	_ =	strace s17  }
0x93: {  	s2 =	sld [smem:$0x3FFC];
	_ =	sdelay $0x3  }
0x94: {  	_ =	strace s2  }
0x95: {  	s2 =	sld [smem:$0x3FFD];
	_ =	sdelay $0x3  }
0x96: {  	_ =	strace s2  }
0x97: {  	_ =	strace $0x8FFFFFFF  }
0x98: {  	s18 =	sld [smem:$0x3FDB];
	_ =	sdelay $0x1  }
0x99: {  	s19 =	simm.s32 $_scs_section_size  }
0x9a: {  	s4 =	simm.s32 $_size__tile_overlayer_lowered;
	s5 =	simm.s32 $_tile_overlayer_lowered  }
0x9b: {  	s22 =	simm.s32 $0x1BFF;
	s21 =	sshll.u32 s5, $0x1;
	s2 =	sadd.s32 s19, s18  }
0x9c: {  	s6 =	simm.s32 $0x0;
	s20 =	sshll.u32 s4, $0x1;
	s4 =	sadd.s32 s21, s2  }
0x9d: {  	[timem:s6], [sflag:s22] =	dma.local [hbm:s4], s20  }
0x9e: {  	_ =	swait.ge [sflag:s22], s20  }
0x9f: {  	s3 =	ssub.s32 $0x0, s20;
	[sflag:s22] =	ssyncset.done $0x0  }
0xa0: {  	[sflag:s22] =	ssyncadd.s32 s3;
	_ =	sdelay $0x1  }
0xa1: {  	s23 =	simm.s32 $0x1B8B  }
0xa2: {  	_ =	swait.ge [sflag:s23], $0x1  }
0xa3: {  	[sflag:s23] =	ssyncset.done $0x0  }
0xa4: {  	s25 =	simm.s32 $0x1B8E;
	s24 =	sld [smem:$0x3FFE];
	[sflag:s23] =	ssyncadd.s32 $0xFFFFFFFF  }
0xa5: {  	s26 =	simm.s32 $execute0_lowered;
	[smem:$0x3FD2] =	sst s25  }
0xa6: {  	s4 =	sshll.u32 s26, $0x1;
	_ =	strace $0x8000004C;
	[dreg:$0x1] =	wrdreg $0xFFFFFFFF  }
0xa7: {  	s28 =	simm.s32 $_size_execute0_lowered;
	s2 =	sadd.s32 s2, s4;
	[dreg:$0x0] =	wrdreg $0x0  }
0xa8: {  	s4 =	sshll.u32 s28, $0x1;
	[dreg:$0x2] =	wrdreg s2  }
0xa9: {  	[dreg:$0x3] =	wrdreg s4  }
0xaa: {  	[dreg:$0x4] =	wrdreg $0xC0  }
0xab: {  	_ =	task [dreg:s6], $0x5FFFF  }
0xac: {  	[dreg:$0x1] =	wrdreg $0xFFFFFFFF  }
0xad: {  	[dreg:$0x0] =	wrdreg $0x60  }
0xae: {  	[dreg:$0x2] =	wrdreg s24  }
0xaf: {  	[dreg:$0x3] =	wrdreg $0x5A00  }
0xb0: {  	[dreg:$0x4] =	wrdreg $0x9  }
0xb1: {  	_ =	task.clear_ibuf [dreg:s6], $0x5FFFF;
	_ =	strace $0x9000004C  }
0xb2: {  	s29 =	simm.s32 $0x9;
	_ =	strace $0x8000004E  }
0xb3: {  	_ =	swait.ge [sflag:s29], $0x1  }
0xb4: {  	[sflag:s29] =	ssyncadd.s32 $0xFFFFFFFF  }
0xb5: {  	_ =	strace $0x9000004E  }
0xb6: {  	_ =	sfence  }
0xb7: {  	s30 =	sld [smem:$0x0];
	_ =	sdelay $0x2  }
0xb8: {  	s31 =	sshll.u32 s1, $0xD;
	s1 =	sshrl.u32 s1, $0x2  }
0xb9: {  	s3 =	sand.u32 $0x4000, s31;
	s1 =	sadd.s32 s1, s30  }
0xba: {  	s0 =	sor.u32 s3, s0;
	s1 =	sshll.u32 s1, $0x11  }
0xbb: {  	s0 =	sor.u32 s1, s0  }
0xbc: {  	s0 =	sadd.s32 $0x8F2B, s0  }
0xbd: {  	[sflag:s0] =	ssyncadd.remote.s32 $0x1  }
0xbe: {  	_ =	sfence.sel $0xFFFF  }
0xbf: {  	[dreg:$0x0] =	wrdreg $0xFFFFFFFF;
	(pc) =	sbr.abs _section_cstart, $3  }
0xc0: {  	[dreg:$0x1] =	wrdreg $0xFFFFFFFF  }
0xc1: {  	_ =	task.clear_ibuf [dreg:s6], $0x2FFFF;
	_ =	strace $0x9FFFFFFF  }
0xc2: {  	(tm) =	ssettm $0x7FFFFFFF  }
0xc3: {  	_ =	shalt  }
tec
execute0_lowered:
.L_overlay_start_1:
0x0: {  	(tag) =	ssettag $0x1  }
0x1: {  	s0 =	srdreg.scid;
	s5 =	rddreg [dreg:$0x0]  }
0x2: {  	s2 =	rddreg [dreg:$0x1];
	s6 =	sand.u32 $0x1, s0  }
0x3: {  	s0 =	stileid.u32;
	s4 =	smul.u32 $0x27100, s6  }
0x4: {  	s1 =	rddreg [dreg:$0x2];
	s3 =	simm.s32 $0x0;
	s7 =	smul.u32 $0x2710, s0  }
0x5: {  	s13 =	simm.s32 $0x50;
	s14 =	simm.s32 $0xA0;
	s8 =	smul.u32 $0x2800, s0  }
0x6: {  	s15 =	simm.s32 $0x1;
	s16 =	simm.s32 $0x0;
	s26 =	smul.u32 $0x500, s0  }
0x7: {  	[smem:$0x7FF] =	sst s3;
	s10 =	smul.u32 $0x5000, s6;
	s6 =	ssub.s32 $0x2, s6  }
0x8: {  	_ =	strace $0x8000004D;
	s31 =	sshll.u32 s0, $0x6;
	s29 =	sshrl.u32 s6, $0x1  }
0x9: {  	s4 =	sadd.s32 s7, s4;
	s28 =	sshrl.u32 s8, $0x3;
	s7 =	sadd.s32 s26, s10  }
0xa: {  	s30 =	ssub.s32 s6, s29;
	s12 =	sadd.s32 s8, s2;
	s6 =	sor.u32 $0x1C02, s31  }
0xb: {  	s9 =	sshrl.u32 s4, $0x3;
	s4 =	sadd.s32 $0x3DC00, s5;
	s7 =	sadd.s32 s7, s5  }
0xc: {  	s8 =	smax.u32 s30, $0x1;
	s11 =	sadd.s32 s9, s5;
	s9 =	sadd.s32 s28, s5  }
0xd: {  	s7 =	sadd.s32 $0x47C00, s7;
	s5 =	sadd.s32 $0x42C00, s9;
	s9 =	sadd.s32 $0x2E00, s11  }
0xe: {  	s10 =	sadd.s32 $0xCC00, s11;
	s11 =	sshrl.u32 s12, $0x3;
	s12 =	simm.s32 $0x2  }
.LBB2_1:
0xf: {  	[spmem:s11], [sflag:s6] =	dma.local [hbm:s5], $0x500  }
0x10: {  	_ =	swait.ge [sflag:s12], $0x500  }
0x11: {  	[sflag:s12] =	ssyncset.done $0x0  }
0x12: {  	[sflag:s12] =	ssyncadd.s32 $0xFFFFFB00  }
0x13: {  	s17 =	sadd.s32 $0x0, s10;
	[bflag:$0x0] =	sbarrier.arrive $0xFFFF  }
0x14: {  	[tilespmem:s3], [sflag:$0x2] =	stream.linear.gather [hbm4b:s17+s3], $0x50, $0x38;
	[tilespmem:$0x2DA0] =	vst v63  }
0x15: {  	_ =	swait.ge [sflag:s12], $0x50  }
0x16: {  	[sflag:s12] =	ssyncset.done $0x0  }
0x17: {  	s31 =	sadd.s32 $0x0, s9;
	[sflag:s12] =	ssyncadd.s32 $0xFFFFFFB0  }
0x18: {  	[tilespmem:s13], [sflag:$0x2] =	stream.linear.gather [hbm4b:s31+s3], $0x50, $0x38;
	[tilespmem:$0x2DA0] =	vst v63  }
0x19: {  	_ =	swait.ge [sflag:s12], $0x50  }
0x1a: {  	[sflag:s12] =	ssyncset.done $0x0  }
0x1b: {  	[sflag:s12] =	ssyncadd.s32 $0xFFFFFFB0  }
0x1c: {  	[tilespmem:s14], [sflag:$0x1] =	stream.indirect.gather [hbm4b:s4+s13], $0x10, s3, s13, $0xb8;
	[tilespmem:$0x2DA0] =	vst v63  }
0x1d: {  	_ =	swait.ge [sflag:s15], $0x500  }
0x1e: {  	[sflag:s15] =	ssyncset.done $0x0  }
0x1f: {  	[sflag:s15] =	ssyncadd.s32 $0xFFFFFB00  }
0x20: {  	[spmem:s2] =	stream.indirect.scatter.add.f32 [tilespmem:s14], [sflag:$0x2], $0x10, s13, s13, $0xb8;
	[tilespmem:$0x2DA0] =	vst v63  }
0x21: {  	_ =	swait.ge [sflag:s12], $0x500  }
0x22: {  	s18 =	simm.s32 $0x14;
	s17 =	simm.s32 $0xA;
	[sflag:s12] =	ssyncset.done $0x0  }
.LBB2_2:
0x23: {  	s19 =	sadd.s32 s17, s10  }
0x24: {  	[sflag:s12] =	ssyncadd.s32 $0xFFFFFB00;
	s20 =	smov.u32 s18;
	s21 =	sadd.s32 $0xA, s18  }
0x25: {  	[tilespmem:s3], [sflag:$0x2] =	stream.linear.gather [hbm4b:s19+s3], $0x50, $0x38;
	[tilespmem:$0x2DA0] =	vst v63  }
0x26: {  	p0 =	sne.s32 s18, $0x4D8;
	_ =	swait.ge [sflag:s12], $0x50  }
0x27: {  	[sflag:s12] =	ssyncset.done $0x0  }
0x28: {  	s18 =	sadd.s32 s17, s9;
	s17 =	smov.u32 s20;
	[sflag:s12] =	ssyncadd.s32 $0xFFFFFFB0  }
0x29: {  	[tilespmem:s13], [sflag:$0x2] =	stream.linear.gather [hbm4b:s18+s3], $0x50, $0x38;
	[tilespmem:$0x2DA0] =	vst v63  }
0x2a: {  	_ =	swait.ge [sflag:s12], $0x50  }
0x2b: {  	[sflag:s12] =	ssyncset.done $0x0  }
0x2c: {  	[sflag:s12] =	ssyncadd.s32 $0xFFFFFFB0  }
0x2d: {  	[tilespmem:s14], [sflag:$0x1] =	stream.indirect.gather [hbm4b:s4+s13], $0x10, s3, s13, $0xb8;
	[tilespmem:$0x2DA0] =	vst v63  }
0x2e: {  	_ =	swait.ge [sflag:s15], $0x500  }
.Ltmp0:
0x2f: {  	[sflag:s15] =	ssyncset.done $0x0;
	(pc) =	sbr.rel @p0 .LBB2_2-.Ltmp0, $4  }
0x30: {  	[sflag:s15] =	ssyncadd.s32 $0xFFFFFB00  }
0x31: {  	[spmem:s2] =	stream.indirect.scatter.add.f32 [tilespmem:s14], [sflag:$0x2], $0x10, s13, s13, $0xb8;
	[tilespmem:$0x2DA0] =	vst v63  }
0x32: {  	_ =	swait.ge [sflag:s12], $0x500  }
0x33: {  	s18 =	smov.u32 s21;
	[sflag:s12] =	ssyncset.done $0x0  }
0x34: {  	s18 =	sadd.s32 s17, s10;
	[sflag:s12] =	ssyncadd.s32 $0xFFFFFB00  }
0x35: {  	[tilespmem:s3], [sflag:$0x2] =	stream.linear.gather [hbm4b:s18+s3], $0x50, $0x38;
	[tilespmem:$0x2DA0] =	vst v63  }
0x36: {  	_ =	swait.ge [sflag:s12], $0x50  }
0x37: {  	[sflag:s12] =	ssyncset.done $0x0  }
0x38: {  	s31 =	sadd.s32 s17, s9;
	[sflag:s12] =	ssyncadd.s32 $0xFFFFFFB0  }
0x39: {  	[tilespmem:s13], [sflag:$0x2] =	stream.linear.gather [hbm4b:s31+s3], $0x50, $0x38;
	[tilespmem:$0x2DA0] =	vst v63  }
0x3a: {  	_ =	swait.ge [sflag:s12], $0x50  }
0x3b: {  	[sflag:s12] =	ssyncset.done $0x0  }
0x3c: {  	[sflag:s12] =	ssyncadd.s32 $0xFFFFFFB0  }
0x3d: {  	[tilespmem:s14], [sflag:$0x1] =	stream.indirect.gather [hbm4b:s4+s13], $0x10, s3, s13, $0xb8;
	[tilespmem:$0x2DA0] =	vst v63  }
0x3e: {  	_ =	swait.ge [sflag:s15], $0x500  }
0x3f: {  	[sflag:s15] =	ssyncset.done $0x0  }
0x40: {  	[sflag:s15] =	ssyncadd.s32 $0xFFFFFB00  }
0x41: {  	[spmem:s2] =	stream.indirect.scatter.add.f32 [tilespmem:s14], [sflag:$0x2], $0x10, s13, s13, $0xb8;
	[tilespmem:$0x2DA0] =	vst v63  }
0x42: {  	_ =	swait.ge [sflag:s12], $0x500  }
0x43: {  	s16 =	sadd.s32 $0x1, s16;
	[sflag:s12] =	ssyncset.done $0x0  }
0x44: {  	p0 =	sne.s32 s16, s8;
	[sflag:s12] =	ssyncadd.s32 $0xFFFFFB00  }
.Ltmp1:
0x45: {  	[bflag:$0x0] =	sbarrier.arrive $0xFFFF;
	(pc) =	sbr.rel @p0 .LBB2_1-.Ltmp1, $4  }
0x46: {  	[hbm:s7], [sflag:s6] =	dma.local [spmem:s11], $0x500  }
0x47: {  	_ =	swait.ge [sflag:s12], $0x500  }
0x48: {  	[sflag:s12] =	ssyncset.done $0x0  }
0x49: {  	[sflag:s12] =	ssyncadd.s32 $0xFFFFFB00  }
0x4a: {  	_ =	sfence.sel $0x180000  }
0x4b: {  	[bflag:$0x0] =	sbarrier.arrive $0xFFFF  }
0x4c: {  	p0 =	sne.s32 s0, $0x0;
	_ =	strace $0x9000004D  }
0x4d: {  	s0 =	sadd.s32 @!p0 $0x100000, s1;
	[bflag:$0x2] =	sbarrier.arrive $0xFFFF  }
0x4e: {  	[sflag:s0] =	ssyncadd.tile.s32 @!p0 $0x1;
	_ =	shalt  }
.Lfunc_end2:
_tile_overlayer_lowered:
.L_overlay_start_2:
0x4f: {  	(tag) =	ssettag $0x2  }
0x50: {  	s0 =	rddreg [dreg:$0x0];
	s2 =	stileid.u32  }
0x51: {  	s1 =	rddreg [dreg:$0x1];
	p0 =	sne.s32 s2, $0x0  }
0x52: {  	s3 =	rddreg [dreg:$0x2];
	[bflag:$0x3] =	sbarrier.arrive $0xFFFF;
	s2 =	simm.s32 @!p0 $0x1C02  }
0x53: {  	[timem:s3], [sflag:s2] =	dma.local @!p0 [hbm:s0], s1  }
0x54: {  	s0 =	simm.s32 @!p0 $0x2  }
0x55: {  	_ =	swait.ge @!p0 [sflag:s0], s1  }
0x56: {  	s1 =	ssub.s32 @!p0 $0x0, s1;
	[sflag:s0] =	ssyncset.done @!p0 $0x0  }
0x57: {  	[sflag:s0] =	ssyncadd.s32 @!p0 s1  }
0x58: {  	[bflag:$0x3] =	sbarrier.arrive $0xFFFF  }
0x59: {  	_ =	shalt  }

// kernel: kernel.8.cloned.1.call-start
scs
__scs_entry_jumppad:
0x0: {  	(pc) =	sbr.rel $0x88, $3  }
0x1: {  	(tag) =	ssettag $0x0;
	lr =	simm.s32 $0x1  }
0x2: {  	[smem:$0x3F92] =	sst lr;
	_ =	strace $0xD0000000  }
0x3: {  	_ = 	snop  }
0x4: {  	_ = 	snop  }
0x5: {  	_ = 	snop  }
0x6: {  	_ = 	snop  }
0x7: {  	_ = 	snop  }
__scs_overlays_trampoline_lowered:
0x8: {  	[smem:$0x3FA1] =	sst s0  }
0x9: {  	[smem:$0x3FA2] =	sst s1  }
0xa: {  	[smem:$0x3FA3] =	sst s2  }
0xb: {  	[smem:$0x3FA4] =	sst s3  }
0xc: {  	[smem:$0x3FA5] =	sst s4  }
0xd: {  	[smem:$0x3FA6] =	sst s5  }
0xe: {  	[smem:$0x3FA7] =	sst s6  }
0xf: {  	[smem:$0x3FA8] =	sst s7  }
0x10: {  	[smem:$0x3FA9] =	sst s8  }
0x11: {  	[smem:$0x3FAA] =	sst s9;
	s0 =	simm.s32 @!p0 $0x0  }
0x12: {  	s1 =	sld [smem:$0x3F90];
	s0 =	simm.s32 @p0 $0x1  }
0x13: {  	[smem:$0x3FAB] =	sst s0;
	s0 =	simm.s32 @!p1 $0x0  }
0x14: {  	s2 =	sld [smem:$0x3F8F];
	s0 =	simm.s32 @p1 $0x1  }
0x15: {  	[smem:$0x3FAC] =	sst s0;
	s0 =	simm.s32 @!p2 $0x0  }
0x16: {  	s3 =	sld [smem:$0x3FDB];
	s0 =	simm.s32 @p2 $0x1  }
0x17: {  	s4 =	simm.s32 $0x1BF5;
	[smem:$0x3FAE] =	sst s0  }
0x18: {  	s0 =	sld [smem:$0x3F91];
	_ =	swait.ge [sflag:s4], $0x0  }
0x19: {  	s7 =	sld [smem:$0x3F92]  }
0x1a: {  	s8 =	sadd.s32 $0xFFFFE003, lr  }
0x1b: {  	s9 =	sadd.s32 $0xFFFFFEF7, lr;
	s5 =	simm.s32 $0xFFFFFFFF;
	p2 =	slt.u32 s8, $0xFFFFF086  }
0x1c: {  	p1 =	slt.u32 s9, $0xF7A;
	s5 =	simm.s32 @!p2 $0x0  }
0x1d: {  	s5 =	simm.s32 @p1 $0x1;
	p0 =	seq.s32 s7, s2  }
0x1e: {  	s7 =	smul.u32 @!p0 $0xF7A, s2;
	p2 =	seq.s32 @!p0 s5, $0x0  }
0x1f: {  	s9 =	smul.u32 $0xF7A, s1;
	s8 =	simm.s32 @!p0 $0x1BF5;
	p2 =	por !p2, p0  }
0x20: {  	[sflag:s8] =	ssyncset.s32 @!p0 $0xFFFFF086;
	s6 =	sadd.s32 @!p0 s3, s7;
	s7 =	simm.s32 @!p0 $0x108  }
0x21: {  	s3 =	sadd.s32 s3, s9;
	s6 =	sadd.s32 @!p0 $0x88, s6;
	s7 =	simm.s32 @p2 $0x1082  }
0x22: {  	[simem:s7], [sflag:s8] =	dma.local @!p0 [hbm:s6], $0xF7A  }
0x23: {  	s9 =	sor.u32 $0xD0000000, s2;
	s6 =	simm.s32 $0x108;
	_ =	swait.ge @!p0 [sflag:s8], $0x0  }
0x24: {  	s3 =	sadd.s32 $0x88, s3;
	s6 =	simm.s32 @!p1 $0x1082;
	[sflag:s4] =	ssyncset.s32 $0xFFFFF086  }
0x25: {  	[simem:s6], [sflag:s4] =	dma.local [hbm:s3], $0xF7A  }
0x26: {  	[smem:$0x3F92] =	sst s1;
	(tag) =	ssettag s2;
	_ =	strace s9  }
0x27: {  	s1 =	sld [smem:$0x3FA2]  }
0x28: {  	s2 =	sld [smem:$0x3FA3]  }
0x29: {  	s4 =	sld [smem:$0x3FA5]  }
0x2a: {  	p0 =	seq.s32 s5, $0x0;
	s5 =	sld [smem:$0x3FA6]  }
0x2b: {  	s6 =	sld [smem:$0x3FA7]  }
0x2c: {  	s7 =	sld [smem:$0x3FA8]  }
0x2d: {  	s3 =	simm.s32 $0x108;
	s8 =	sld [smem:$0x3FA9]  }
0x2e: {  	s3 =	simm.s32 @!p0 $0x1082;
	s9 =	sld [smem:$0x3FAA]  }
0x2f: {  	lr =	sadd.s32 s0, s3;
	s0 =	sld [smem:$0x3FA1]  }
0x30: {  	s3 =	sld [smem:$0x3FA4]  }
0x31: {  	[smem:$0x3FAD] =	sst s10  }
0x32: {  	s10 =	sld [smem:$0x3FAB];
	_ =	sdelay $0x3  }
0x33: {  	p0 =	seq.s32 s10, $0x1;
	s10 =	sld [smem:$0x3FAD];
	_ =	sdelay $0x3  }
0x34: {  	[smem:$0x3FAD] =	sst s10  }
0x35: {  	s10 =	sld [smem:$0x3FAC];
	_ =	sdelay $0x3  }
0x36: {  	p1 =	seq.s32 s10, $0x1;
	s10 =	sld [smem:$0x3FAD];
	_ =	sdelay $0x3  }
0x37: {  	[smem:$0x3FAD] =	sst s10  }
0x38: {  	s10 =	sld [smem:$0x3FAE]  }
0x39: {  	_ = 	snop;
	(pc) =	sbr.ind lr, $3  }
0x3a: {  	_ = 	snop  }
0x3b: {  	_ = 	snop  }
0x3c: {  	p2 =	seq.s32 s10, $0x1;
	s10 =	sld [smem:$0x3FAD]  }
0x3d: {  	_ =	shalt  }
0x3e: {  	_ =	shalt  }
0x3f: {  	_ =	shalt  }
0x40: {  	_ =	shalt  }
0x41: {  	_ =	shalt  }
0x42: {  	_ =	shalt  }
0x43: {  	_ =	shalt  }
0x44: {  	_ =	shalt  }
0x45: {  	_ =	shalt  }
0x46: {  	_ =	shalt  }
0x47: {  	_ =	shalt  }
0x48: {  	_ =	shalt  }
0x49: {  	_ =	shalt  }
0x4a: {  	_ =	shalt  }
0x4b: {  	_ =	shalt  }
0x4c: {  	_ =	shalt  }
0x4d: {  	_ =	shalt  }
0x4e: {  	_ =	shalt  }
0x4f: {  	_ =	shalt  }
0x50: {  	_ =	shalt  }
0x51: {  	_ =	shalt  }
0x52: {  	_ =	shalt  }
0x53: {  	_ =	shalt  }
0x54: {  	_ =	shalt  }
0x55: {  	_ =	shalt  }
0x56: {  	_ =	shalt  }
0x57: {  	_ =	shalt  }
0x58: {  	_ =	shalt  }
0x59: {  	_ =	shalt  }
0x5a: {  	_ =	shalt  }
0x5b: {  	_ =	shalt  }
0x5c: {  	_ =	shalt  }
0x5d: {  	_ =	shalt  }
0x5e: {  	_ =	shalt  }
0x5f: {  	_ =	shalt  }
0x60: {  	_ =	shalt  }
0x61: {  	_ =	shalt  }
0x62: {  	_ =	shalt  }
0x63: {  	_ =	shalt  }
0x64: {  	_ =	shalt  }
0x65: {  	_ =	shalt  }
0x66: {  	_ =	shalt  }
0x67: {  	_ =	shalt  }
0x68: {  	_ =	shalt  }
0x69: {  	_ =	shalt  }
0x6a: {  	_ =	shalt  }
0x6b: {  	_ =	shalt  }
0x6c: {  	_ =	shalt  }
0x6d: {  	_ =	shalt  }
0x6e: {  	_ =	shalt  }
0x6f: {  	_ =	shalt  }
0x70: {  	_ =	shalt  }
0x71: {  	_ =	shalt  }
0x72: {  	_ =	shalt  }
0x73: {  	_ =	shalt  }
0x74: {  	_ =	shalt  }
0x75: {  	_ =	shalt  }
0x76: {  	_ =	shalt  }
0x77: {  	_ =	shalt  }
0x78: {  	_ =	shalt  }
0x79: {  	_ =	shalt  }
0x7a: {  	_ =	shalt  }
0x7b: {  	_ =	shalt  }
0x7c: {  	_ =	shalt  }
0x7d: {  	_ =	shalt  }
0x7e: {  	_ =	shalt  }
0x7f: {  	_ =	shalt  }
0x80: {  	_ =	shalt  }
0x81: {  	_ =	shalt  }
0x82: {  	_ =	shalt  }
0x83: {  	_ =	shalt  }
0x84: {  	_ =	shalt  }
0x85: {  	_ =	shalt  }
0x86: {  	_ =	shalt  }
0x87: {  	_ =	shalt  }
.Lfunc_end0:
.L_simem_size_0:
called_computation_lowered:
.L_overlay_start_0:
0x88: {  	s2 =	sld [smem:$0x3FD9]  }
0x89: {  	s3 =	sld [smem:$0x3FFE];
	_ =	sdelay $0x1  }
0x8a: {  	s1 =	srdreg.scid  }
0x8b: {  	s0 =	sand.u32 $0x1, s1  }
0x8c: {  	s16 =	sshll.u32 s0, $0xA;
	s2 =	sadd.s32 s3, s2  }
0x8d: {  	s2 =	sadd.s32 s2, s16  }
0x8e: {  	[smem:$0x3FB9] =	sst s2  }
0x8f: {  	_ = 	snop  }
0x90: {  	(tm) =	ssettm $0x1  }
0x91: {  	s17 =	sld [smem:$0x3FFB];
	_ =	sdelay $0x3  }
0x92: {  	_ =	strace s17  }
0x93: {  	s2 =	sld [smem:$0x3FFC];
	_ =	sdelay $0x3  }
0x94: {  	_ =	strace s2  }
0x95: {  	s2 =	sld [smem:$0x3FFD];
	_ =	sdelay $0x3  }
0x96: {  	_ =	strace s2  }
0x97: {  	_ =	strace $0x8FFFFFFF  }
0x98: {  	s18 =	sld [smem:$0x3FDB];
	_ =	sdelay $0x1  }
0x99: {  	s19 =	simm.s32 $_scs_section_size  }
0x9a: {  	s4 =	simm.s32 $_size__tile_overlayer_lowered;
	s5 =	simm.s32 $_tile_overlayer_lowered  }
0x9b: {  	s22 =	simm.s32 $0x1BFF;
	s21 =	sshll.u32 s5, $0x1;
	s2 =	sadd.s32 s19, s18  }
0x9c: {  	s6 =	simm.s32 $0x0;
	s20 =	sshll.u32 s4, $0x1;
	s4 =	sadd.s32 s21, s2  }
0x9d: {  	[timem:s6], [sflag:s22] =	dma.local [hbm:s4], s20  }
0x9e: {  	_ =	swait.ge [sflag:s22], s20  }
0x9f: {  	s3 =	ssub.s32 $0x0, s20;
	[sflag:s22] =	ssyncset.done $0x0  }
0xa0: {  	[sflag:s22] =	ssyncadd.s32 s3;
	_ =	sdelay $0x1  }
0xa1: {  	s23 =	simm.s32 $0x1B8B  }
0xa2: {  	_ =	swait.ge [sflag:s23], $0x1  }
0xa3: {  	[sflag:s23] =	ssyncset.done $0x0  }
0xa4: {  	s25 =	simm.s32 $0x1B8E;
	s24 =	sld [smem:$0x3FFE];
	[sflag:s23] =	ssyncadd.s32 $0xFFFFFFFF  }
0xa5: {  	s26 =	simm.s32 $execute0_lowered;
	[smem:$0x3FD2] =	sst s25  }
0xa6: {  	s4 =	sshll.u32 s26, $0x1;
	_ =	strace $0x80000046;
	[dreg:$0x1] =	wrdreg $0xFFFFFFFF  }
0xa7: {  	s28 =	simm.s32 $_size_execute0_lowered;
	s2 =	sadd.s32 s2, s4;
	[dreg:$0x0] =	wrdreg $0x0  }
0xa8: {  	s4 =	sshll.u32 s28, $0x1;
	[dreg:$0x2] =	wrdreg s2  }
0xa9: {  	[dreg:$0x3] =	wrdreg s4  }
0xaa: {  	[dreg:$0x4] =	wrdreg $0xC0  }
0xab: {  	_ =	task [dreg:s6], $0x5FFFF  }
0xac: {  	[dreg:$0x1] =	wrdreg $0xFFFFFFFF  }
0xad: {  	[dreg:$0x0] =	wrdreg $0x60  }
0xae: {  	[dreg:$0x2] =	wrdreg s24  }
0xaf: {  	[dreg:$0x3] =	wrdreg $0x19A00  }
0xb0: {  	[dreg:$0x4] =	wrdreg $0x9  }
0xb1: {  	_ =	task.clear_ibuf [dreg:s6], $0x5FFFF;
	_ =	strace $0x90000046  }
0xb2: {  	s29 =	simm.s32 $0x9;
	_ =	strace $0x80000048  }
0xb3: {  	_ =	swait.ge [sflag:s29], $0x1  }
0xb4: {  	[sflag:s29] =	ssyncadd.s32 $0xFFFFFFFF  }
0xb5: {  	_ =	strace $0x90000048  }
0xb6: {  	_ =	sfence  }
0xb7: {  	s30 =	sld [smem:$0x0];
	_ =	sdelay $0x2  }
0xb8: {  	s31 =	sshll.u32 s1, $0xD;
	s1 =	sshrl.u32 s1, $0x2  }
0xb9: {  	s3 =	sand.u32 $0x4000, s31;
	s1 =	sadd.s32 s1, s30  }
0xba: {  	s0 =	sor.u32 s3, s0;
	s1 =	sshll.u32 s1, $0x11  }
0xbb: {  	s0 =	sor.u32 s1, s0  }
0xbc: {  	s0 =	sadd.s32 $0x8F2B, s0  }
0xbd: {  	[sflag:s0] =	ssyncadd.remote.s32 $0x1  }
0xbe: {  	_ =	sfence.sel $0xFFFF  }
0xbf: {  	[dreg:$0x0] =	wrdreg $0xFFFFFFFF;
	(pc) =	sbr.abs _section_cstart, $3  }
0xc0: {  	[dreg:$0x1] =	wrdreg $0xFFFFFFFF  }
0xc1: {  	_ =	task.clear_ibuf [dreg:s6], $0x2FFFF;
	_ =	strace $0x9FFFFFFF  }
0xc2: {  	(tm) =	ssettm $0x7FFFFFFF  }
0xc3: {  	_ =	shalt  }
tec
execute0_lowered:
.L_overlay_start_1:
0x0: {  	(tag) =	ssettag $0x1  }
0x1: {  	s5 =	rddreg [dreg:$0x0]  }
0x2: {  	s2 =	rddreg [dreg:$0x1]  }
0x3: {  	s1 =	stileid.u32;
	s0 =	rddreg [dreg:$0x2]  }
0x4: {  	s3 =	simm.s32 $0x0;
	s4 =	srdreg.scid;
	s6 =	smul.u32 $0x9C4, s1  }
0x5: {  	s15 =	simm.s32 $0x1;
	s16 =	simm.s32 $0x0;
	s7 =	smul.u32 $0xC800, s1  }
0x6: {  	[smem:$0x7FF] =	sst s3;
	s8 =	sand.u32 $0x1, s4;
	s9 =	smul.u32 $0x1900, s1  }
0x7: {  	s4 =	sadd.s32 $0x16A00, s5;
	s31 =	sshll.u32 s1, $0x6;
	s10 =	smul.u32 $0x19000, s8  }
0x8: {  	_ =	strace $0x80000047;
	s29 =	ssub.s32 $0x2, s8;
	s14 =	smul.u32 $0x2710, s8  }
0x9: {  	s11 =	sadd.s32 s6, s5;
	s12 =	sshrl.u32 s7, $0x3;
	s30 =	sshrl.u32 s29, $0x1  }
0xa: {  	s13 =	sadd.s32 s7, s2;
	s6 =	sor.u32 $0x1C02, s31;
	s9 =	sadd.s32 s9, s10  }
0xb: {  	s12 =	sadd.s32 s12, s5;
	s10 =	ssub.s32 s29, s30;
	v0 =	vmov s14;
	s14 =	simm.s32 $0xA0  }
0xc: {  	s9 =	sadd.s32 s9, s5;
	s5 =	sadd.s32 $0x47800, s12;
	s8 =	smax.u32 s10, $0x1  }
0xd: {  	s10 =	sadd.s32 $0xCC00, s11;
	s12 =	simm.s32 $0x2;
	s7 =	sadd.s32 $0x60800, s9  }
0xe: {  	s9 =	sadd.s32 $0x2E00, s11;
	s11 =	sshrl.u32 s13, $0x3;
	s13 =	simm.s32 $0x50  }
.LBB2_1:
0xf: {  	[spmem:s11], [sflag:s6] =	dma.local [hbm:s5], $0x1900  }
0x10: {  	_ =	swait.ge [sflag:s12], $0x1900  }
0x11: {  	[sflag:s12] =	ssyncset.done $0x0  }
0x12: {  	[sflag:s12] =	ssyncadd.s32 $0xFFFFE700  }
0x13: {  	s17 =	sadd.s32 $0x0, s10;
	[bflag:$0x0] =	sbarrier.arrive $0xFFFF  }
0x14: {  	[tilespmem:s3], [sflag:$0x2] =	stream.linear.gather [hbm4b:s17+s3], $0x50, $0x38;
	[tilespmem:$0xE1A0] =	vst v63  }
0x15: {  	_ =	swait.ge [sflag:s12], $0x50  }
0x16: {  	[sflag:s12] =	ssyncset.done $0x0  }
0x17: {  	s31 =	sadd.s32 $0x0, s9;
	[sflag:s12] =	ssyncadd.s32 $0xFFFFFFB0  }
0x18: {  	[tilespmem:s13], [sflag:$0x2] =	stream.linear.gather [hbm4b:s31+s3], $0x50, $0x38;
	[tilespmem:$0xE1A0] =	vst v63  }
0x19: {  	_ =	swait.ge [sflag:s12], $0x50  }
0x1a: {  	[sflag:s12] =	ssyncset.done $0x0  }
0x1b: {  	[sflag:s12] =	ssyncadd.s32 $0xFFFFFFB0  }
0x1c: {  	v1 =	vld [tilespmem:$0x40]  }
0x1d: {  	v2 =	vld [tilespmem:$0x20]  }
0x1e: {  	v3 =	vld [tilespmem:$0x30]  }
0x1f: {  	v4 =	vld [tilespmem:$0x10]  }
0x20: {  	v5 =	vld [tilespmem:$0x0]  }
0x21: {  	v1 =	vadd.s32 v0, v1  }
0x22: {  	v2 =	vadd.s32 v0, v2;
	[tilespmem:$0x40] =	vst v1  }
0x23: {  	[tilespmem:$0x20] =	vst v2;
	v1 =	vadd.s32 v0, v3  }
0x24: {  	v2 =	vadd.s32 v0, v4;
	[tilespmem:$0x30] =	vst v1  }
0x25: {  	v1 =	vadd.s32 v0, v5;
	[tilespmem:$0x10] =	vst v2  }
0x26: {  	[tilespmem:$0x0] =	vst v1  }
0x27: {  	[tilespmem:s14], [sflag:$0x1] =	stream.indirect.gather [hbm4b:s4+s13], $0x50, s3, s13, $0xb8;
	[tilespmem:$0xE1A0] =	vst v63  }
0x28: {  	_ =	swait.ge [sflag:s15], $0x1900  }
0x29: {  	s17 =	simm.s32 $0xA;
	[sflag:s15] =	ssyncset.done $0x0  }
.LBB2_2:
0x2a: {  	p0 =	sne.s32 s17, $0x9BA  }
0x2b: {  	[sflag:s15] =	ssyncadd.s32 $0xFFFFE700;
	s18 =	smov.u32 s17;
	s17 =	sadd.s32 $0xA, s17  }
0x2c: {  	[spmem:s2] =	stream.indirect.scatter.add.f32 [tilespmem:s14], [sflag:$0x2], $0x50, s13, s13, $0xb8;
	[tilespmem:$0xE1A0] =	vst v63  }
0x2d: {  	_ =	swait.ge [sflag:s12], $0x1900  }
0x2e: {  	[sflag:s12] =	ssyncset.done $0x0  }
0x2f: {  	s19 =	sadd.s32 s18, s10;
	[sflag:s12] =	ssyncadd.s32 $0xFFFFE700  }
0x30: {  	[tilespmem:s3], [sflag:$0x2] =	stream.linear.gather [hbm4b:s19+s3], $0x50, $0x38;
	[tilespmem:$0xE1A0] =	vst v63  }
0x31: {  	_ =	swait.ge [sflag:s12], $0x50  }
0x32: {  	[sflag:s12] =	ssyncset.done $0x0  }
0x33: {  	s18 =	sadd.s32 s18, s9;
	[sflag:s12] =	ssyncadd.s32 $0xFFFFFFB0  }
0x34: {  	[tilespmem:s13], [sflag:$0x2] =	stream.linear.gather [hbm4b:s18+s3], $0x50, $0x38;
	[tilespmem:$0xE1A0] =	vst v63  }
0x35: {  	_ =	swait.ge [sflag:s12], $0x50  }
0x36: {  	[sflag:s12] =	ssyncset.done $0x0  }
0x37: {  	[sflag:s12] =	ssyncadd.s32 $0xFFFFFFB0  }
0x38: {  	v1 =	vld [tilespmem:$0x40]  }
0x39: {  	v2 =	vld [tilespmem:$0x20]  }
0x3a: {  	v3 =	vld [tilespmem:$0x30]  }
0x3b: {  	v4 =	vld [tilespmem:$0x10]  }
0x3c: {  	v5 =	vld [tilespmem:$0x0]  }
0x3d: {  	v1 =	vadd.s32 v0, v1  }
0x3e: {  	v2 =	vadd.s32 v0, v2;
	[tilespmem:$0x40] =	vst v1  }
0x3f: {  	[tilespmem:$0x20] =	vst v2;
	v1 =	vadd.s32 v0, v3  }
0x40: {  	v2 =	vadd.s32 v0, v4;
	[tilespmem:$0x30] =	vst v1  }
.Ltmp0:
0x41: {  	v1 =	vadd.s32 v0, v5;
	[tilespmem:$0x10] =	vst v2;
	(pc) =	sbr.rel @p0 .LBB2_2-.Ltmp0, $4  }
0x42: {  	[tilespmem:$0x0] =	vst v1  }
0x43: {  	[tilespmem:s14], [sflag:$0x1] =	stream.indirect.gather [hbm4b:s4+s13], $0x50, s3, s13, $0xb8;
	[tilespmem:$0xE1A0] =	vst v63  }
0x44: {  	_ =	swait.ge [sflag:s15], $0x1900  }
0x45: {  	[sflag:s15] =	ssyncset.done $0x0  }
0x46: {  	[sflag:s15] =	ssyncadd.s32 $0xFFFFE700  }
0x47: {  	[spmem:s2] =	stream.indirect.scatter.add.f32 [tilespmem:s14], [sflag:$0x2], $0x50, s13, s13, $0xb8;
	[tilespmem:$0xE1A0] =	vst v63  }
0x48: {  	_ =	swait.ge [sflag:s12], $0x1900  }
0x49: {  	s16 =	sadd.s32 $0x1, s16;
	[sflag:s12] =	ssyncset.done $0x0  }
0x4a: {  	p0 =	sne.s32 s16, s8;
	[sflag:s12] =	ssyncadd.s32 $0xFFFFE700  }
.Ltmp1:
0x4b: {  	[bflag:$0x0] =	sbarrier.arrive $0xFFFF;
	(pc) =	sbr.rel @p0 .LBB2_1-.Ltmp1, $4  }
0x4c: {  	[hbm:s7], [sflag:s6] =	dma.local [spmem:s11], $0x1900  }
0x4d: {  	_ =	swait.ge [sflag:s12], $0x1900  }
0x4e: {  	[sflag:s12] =	ssyncset.done $0x0  }
0x4f: {  	[sflag:s12] =	ssyncadd.s32 $0xFFFFE700  }
0x50: {  	_ =	sfence.sel $0x180000  }
0x51: {  	[bflag:$0x0] =	sbarrier.arrive $0xFFFF  }
0x52: {  	p0 =	sne.s32 s1, $0x0;
	_ =	strace $0x90000047  }
0x53: {  	s0 =	sadd.s32 @!p0 $0x100000, s0;
	[bflag:$0x2] =	sbarrier.arrive $0xFFFF  }
0x54: {  	[sflag:s0] =	ssyncadd.tile.s32 @!p0 $0x1;
	_ =	shalt  }
.Lfunc_end2:
_tile_overlayer_lowered:
.L_overlay_start_2:
0x55: {  	(tag) =	ssettag $0x2  }
0x56: {  	s0 =	rddreg [dreg:$0x0];
	s2 =	stileid.u32  }
0x57: {  	s1 =	rddreg [dreg:$0x1];
	p0 =	sne.s32 s2, $0x0  }
0x58: {  	s3 =	rddreg [dreg:$0x2];
	[bflag:$0x3] =	sbarrier.arrive $0xFFFF;
	s2 =	simm.s32 @!p0 $0x1C02  }
0x59: {  	[timem:s3], [sflag:s2] =	dma.local @!p0 [hbm:s0], s1  }
0x5a: {  	s0 =	simm.s32 @!p0 $0x2  }
0x5b: {  	_ =	swait.ge @!p0 [sflag:s0], s1  }
0x5c: {  	s1 =	ssub.s32 @!p0 $0x0, s1;
	[sflag:s0] =	ssyncset.done @!p0 $0x0  }
0x5d: {  	[sflag:s0] =	ssyncadd.s32 @!p0 s1  }
0x5e: {  	[bflag:$0x3] =	sbarrier.arrive $0xFFFF  }
0x5f: {  	_ =	shalt  }

</sc_bundles>
